<compile_context>
chip_gen: v7x
topology: tpu7x:2x2x1
jax: 0.10.2.dev20260603
libtpu: 0.0.44.dev20260713+nightly
codegen_flags: <defaults>
</compile_context>

<pallas_src>
import functools

import jax
import jax.numpy as jnp
from jax import lax
from jax.experimental import pallas as pl
from jax.experimental.pallas import tpu as pltpu
from jax.experimental.pallas import tpu_sc as plsc

_NUM_CORES = 2
_NUM_SUBCORES = 16
_NUM_WORKERS = _NUM_CORES * _NUM_SUBCORES

_CHUNK = 1280
_FBLK = 1024


def _tc_format(tT, *, blk=_FBLK):
    D, V = tT.shape
    nq = -(-(V // 4) // blk)
    Q = nq * blk

    def body(x0, x1, x2, x3, o_ref):
        for q, x in enumerate((x0, x1, x2, x3)):
            o_ref[:, pl.ds(q * D, D)] = x[...].T

    last_blk = -(-V // blk) - 1

    return pl.pallas_call(
        body,
        grid=(nq,),
        in_specs=[
            pl.BlockSpec((D, blk), functools.partial(
                lambda q, j: (0, jnp.minimum(q * nq + j, last_blk)), q))
            for q in range(4)
        ],
        out_specs=pl.BlockSpec((blk, 4 * D), lambda j: (j, 0)),
        out_shape=jax.ShapeDtypeStruct((Q, 4 * D), jnp.float32),
    )(tT, tT, tT, tT)


def _tc_unformat(packed, *, H, B):
    n4, D4 = packed.shape
    D = D4 // 4
    M = B // 4
    rows_per_blk = n4 // H

    def body(in_ref, o_ref):
        x = in_ref[...]
        for j in range(4):
            o_ref[0, :, pl.ds(j * M, M)] = x[:, j * D:(j + 1) * D].T

    return pl.pallas_call(
        body,
        grid=(H,),
        in_specs=[pl.BlockSpec((rows_per_blk, D4), lambda h: (h, 0))],
        out_specs=pl.BlockSpec((1, D, B), lambda h: (h, 0, 0)),
        out_shape=jax.ShapeDtypeStruct((H, D, B), jnp.float32),
    )(packed)


def _sc_gather(idx2d, tL, *, chunk, H, M):
    n_rows, chunk_ = idx2d.shape
    assert chunk_ == chunk
    V, D = tL.shape
    n_chunks = n_rows // _NUM_WORKERS
    B = n_rows * chunk

    mesh = plsc.VectorSubcoreMesh(core_axis_name="c", subcore_axis_name="s")

    @functools.partial(
        pl.kernel,
        out_type=jax.ShapeDtypeStruct((B, D), jnp.float32),
        mesh=mesh,
        compiler_params=pltpu.CompilerParams(use_tc_tiling_on_sc=False),
        scratch_types=[
            pltpu.VMEM((n_chunks, chunk), jnp.int32),
            pltpu.VMEM((2, chunk, D), jnp.float32),
            pltpu.VMEM((2, chunk // 128, 128), jnp.int32),
            pltpu.SemaphoreType.DMA((2,)),
            pltpu.SemaphoreType.DMA((2,)),
            pltpu.SemaphoreType.DMA,
        ],
    )
    def emb(idx_hbm, table_hbm, out_hbm, idx_v, rows_v, dst_v, gsem, osem,
            isem):
        wid = lax.axis_index("s") * _NUM_CORES + lax.axis_index("c")
        base = wid * n_chunks

        pltpu.async_copy(idx_hbm.at[pl.ds(base, n_chunks)], idx_v, isem).wait()

        def gather(i, b):
            return pltpu.make_async_copy(
                table_hbm.at[idx_v.at[i]], rows_v.at[b], gsem.at[b])

        n_grp = chunk // 128

        def scatter_grp(b, g):
            return pltpu.make_async_copy(
                rows_v.at[b, pl.ds(g * 128, 128)],
                out_hbm.at[dst_v.at[b, g]], osem.at[b])

        def scatter_start(i, b):
            for g in range(n_grp):
                scatter_grp(b, g).start()

        def scatter_wait(i, b):
            for g in range(n_grp):
                scatter_grp(b, g).wait()

        lanes = lax.iota(jnp.int32, 16)

        def fill_dst(i, b):
            p0 = (base + i) * chunk

            def vec(k, carry):
                p = p0 + k * 16 + lanes
                h = lax.rem(p, H)
                bb = lax.div(p, H)
                m = lax.rem(bb, M)
                j = lax.div(bb, M)
                dst_v[b, lax.div(k, 8), pl.ds(lax.rem(k, 8) * 16, 16)] = (
                    h * (4 * M) + m * 4 + j)
                return carry

            lax.fori_loop(0, chunk // 16, vec, 0)

        gather(0, 0).start()
        fill_dst(0, 0)

        def body(i, carry):
            b = lax.rem(i, 2)
            nb = lax.rem(i + 1, 2)

            @pl.when(i + 1 < n_chunks)
            def _start_next():
                @pl.when(i >= 1)
                def _drain_prev_out():
                    scatter_wait(i - 1, nb)
                gather(i + 1, nb).start()
                fill_dst(i + 1, nb)

            gather(i, b).wait()
            scatter_start(i, b)
            return carry

        lax.fori_loop(0, n_chunks, body, 0)

        scatter_wait(n_chunks - 2, lax.rem(n_chunks - 2, 2))
        scatter_wait(n_chunks - 1, lax.rem(n_chunks - 1, 2))

    return emb(idx2d, tL)


def kernel(x, table):
    Bx, H = x.shape
    V, D = table.shape
    B = Bx * H
    M = Bx // 4
    QP = _FBLK * (-(-(V // 4) // _FBLK))

    tT = jnp.swapaxes(table, 0, 1)
    packed = _tc_format(tT)
    tL = packed.reshape(4 * QP, D)

    xv = (x % QP) * 4 + x // QP
    idx2d = xv.reshape(B // _CHUNK, _CHUNK).astype(jnp.int32)

    lin = _sc_gather(idx2d, tL, chunk=_CHUNK, H=H, M=M)
    packed_out = lin.reshape(B // 4, 4 * D)
    outT = _tc_unformat(packed_out, H=H, B=Bx)
    return jnp.transpose(outT, (2, 0, 1))

# --- scband reference (transcript-rebuilt; emitter-appended) ---
"""Pipeline reference for scband-learnable-embedding-901943132228 (READ-ONLY COPY).

The authoritative reference and input builder live on the scoring server;
editing this copy changes nothing except your own understanding.
"""

import jax, jax.numpy as jnp
import numpy as np

VOCAB = 1000000
EMBED_DIM = 32
BATCH = 16384
HIST = 50

def setup_inputs(seed: int = 0) -> dict:
    key = jax.random.key(seed)
    k_idx, k_tab = jax.random.split(key)
    x = jax.random.randint(k_idx, (BATCH, HIST), 0, VOCAB, dtype=jnp.int64 if jax.config.jax_enable_x64 else jnp.int32)
    # nn.Embedding default init: N(0, 1)
    table = jax.random.normal(k_tab, (VOCAB, EMBED_DIM), dtype=jnp.float32)
    return {"x": x, "table": table}

def reference(x, table):
    # LearnableEmbedding.forward: self.embedding(x)
    return jnp.take(table, x, axis=0)

if __name__ == "__main__":
    import jax
    _d = setup_inputs()
    print(jax.jit(kernel)(*tuple(_d.values())))

</pallas_src>

<mosaic_0001>
#map = affine_map<(d0, d1) -> (0, 0)>
module attributes {stable_mosaic.version = 14 : i64} {
  func.func @emb(%arg0: i32, %arg1: i32, %arg2: memref<640x1280xi32, #tpu.memory_space<hbm>>, %arg3: memref<1003520x32xf32, #tpu.memory_space<hbm>>, %arg4: memref<819200x32xf32, #tpu.memory_space<hbm>>, %arg5: memref<20x1280xi32, #tpu.memory_space<vmem>>, %arg6: memref<2x1280x32xf32, #tpu.memory_space<vmem>>, %arg7: memref<2x10x128xi32, #tpu.memory_space<vmem>>, %arg8: memref<2x!tpu.dma_semaphore, #tpu.memory_space<semaphore_mem>>, %arg9: memref<2x!tpu.dma_semaphore, #tpu.memory_space<semaphore_mem>>, %arg10: memref<!tpu.dma_semaphore, #tpu.memory_space<semaphore_mem>>) attributes {dimension_semantics = [#tpu.dimension_semantics<core_parallel>, #tpu.dimension_semantics<subcore_parallel>], iteration_bounds = array<i64: 2, 16>, scalar_prefetch = 0 : i64, scratch_operands = 6 : i64, tpu.core_type = #tpu.core_type<sc_vector_subcore>, window_params = [{transform_indices = #map}, {transform_indices = #map}, {transform_indices = #map}]} {
    %mul3A = arith.constant 2 : i32
    %mul3A_0 = arith.muli %arg1, %mul3A : i32
    %add3A = arith.addi %mul3A_0, %arg0 : i32
    %mul3A_1 = arith.constant 20 : i32
    %mul3A_2 = arith.muli %add3A, %mul3A_1 : i32
    %dma_start3A = arith.constant 0 : i32
    %dma_start3A_3 = tpu.memref_slice %arg2[%mul3A_2, %dma_start3A] : memref<640x1280xi32, #tpu.memory_space<hbm>> -> memref<20x1280xi32, #tpu.memory_space<hbm>>
    %dma_start3A_4 = arith.constant 0 : i32
    %dma_start3A_5 = tpu.memref_slice %arg2[%mul3A_2, %dma_start3A_4] : memref<640x1280xi32, #tpu.memory_space<hbm>> -> memref<20x1280xi32, #tpu.memory_space<hbm>>
    tpu.enqueue_dma source(%dma_start3A_5 : memref<20x1280xi32, #tpu.memory_space<hbm>>) target(%arg5 : memref<20x1280xi32, #tpu.memory_space<vmem>>) target_semaphore(%arg10 : memref<!tpu.dma_semaphore, #tpu.memory_space<semaphore_mem>>)
    %dma_wait3A = arith.constant 0 : i32
    %dma_wait3A_6 = tpu.memref_slice %arg2[%mul3A_2, %dma_wait3A] : memref<640x1280xi32, #tpu.memory_space<hbm>> -> memref<20x1280xi32, #tpu.memory_space<hbm>>
    %dma_wait3A_7 = arith.constant 0 : i32
    %dma_wait3A_8 = tpu.memref_slice %arg2[%mul3A_2, %dma_wait3A_7] : memref<640x1280xi32, #tpu.memory_space<hbm>> -> memref<20x1280xi32, #tpu.memory_space<hbm>>
    tpu.wait_dma2 semaphore(%arg10 : memref<!tpu.dma_semaphore, #tpu.memory_space<semaphore_mem>>) src(%dma_wait3A_8 : memref<20x1280xi32, #tpu.memory_space<hbm>>) dst(%arg5 : memref<20x1280xi32, #tpu.memory_space<vmem>>)
    %iota3A = tpu.iota {dimensions = array<i32: 0>} : vector<16xi32>
    %dma_start3A_9 = arith.constant 0 : i32
    %dma_start3A_10 = arith.constant 0 : i32
    %dma_start3A_11 = arith.constant 0 : i32
    %dma_start3A_12 = arith.constant 0 : i32
    %dma_start3A_13 = arith.constant 0 : i32
    %dma_start3A_14 = tpu.memref_slice %arg6[%dma_start3A_10, %dma_start3A_12, %dma_start3A_13] : memref<2x1280x32xf32, #tpu.memory_space<vmem>> -> memref<1x1280x32xf32, #tpu.memory_space<vmem>>
    %dma_start3A_15 = tpu.memref_squeeze %dma_start3A_14 : memref<1x1280x32xf32, #tpu.memory_space<vmem>> -> memref<1280x32xf32, #tpu.memory_space<vmem>>
    %dma_start3A_16 = arith.constant 0 : i32
    %dma_start3A_17 = tpu.memref_slice %arg5[%dma_start3A_9, %dma_start3A_16] : memref<20x1280xi32, #tpu.memory_space<vmem>> -> memref<1x1280xi32, #tpu.memory_space<vmem>>
    %dma_start3A_18 = tpu.memref_squeeze %dma_start3A_17 : memref<1x1280xi32, #tpu.memory_space<vmem>> -> memref<1280xi32, #tpu.memory_space<vmem>>
    %dma_start3A_19 = arith.constant 0 : i32
    %dma_start3A_20 = arith.constant 0 : i32
    %dma_start3A_21 = tpu.memref_slice %arg3[%dma_start3A_19, %dma_start3A_20] : memref<1003520x32xf32, #tpu.memory_space<hbm>> -> memref<1003520x32xf32, #tpu.memory_space<hbm>>
    %dma_start3A_22 = tpu.memref_slice %arg8[%dma_start3A_11] : memref<2x!tpu.dma_semaphore, #tpu.memory_space<semaphore_mem>> -> memref<1x!tpu.dma_semaphore, #tpu.memory_space<semaphore_mem>>
    %dma_start3A_23 = tpu.memref_squeeze %dma_start3A_22 : memref<1x!tpu.dma_semaphore, #tpu.memory_space<semaphore_mem>> -> memref<!tpu.dma_semaphore, #tpu.memory_space<semaphore_mem>>
    tpu.enqueue_indirect_dma source(%dma_start3A_21 : memref<1003520x32xf32, #tpu.memory_space<hbm>>) target(%dma_start3A_15 : memref<1280x32xf32, #tpu.memory_space<vmem>>) offsets(%dma_start3A_18 : memref<1280xi32, #tpu.memory_space<vmem>>) semaphore(%dma_start3A_23 : memref<!tpu.dma_semaphore, #tpu.memory_space<semaphore_mem>>)
    %add3A_24 = arith.constant 0 : i32
    %add3A_25 = arith.addi %mul3A_2, %add3A_24 : i32
    %mul3A_26 = arith.constant 1280 : i32
    %mul3A_27 = arith.muli %add3A_25, %mul3A_26 : i32
    %scan3A = arith.constant 0 : i32
    %scan3A_28 = arith.constant 0 : i32
    %scan3A_29 = arith.constant 80 : i32
    %scan3A_30 = arith.addi %scan3A_28, %scan3A_29 : i32
    %scan3A_31 = arith.constant 1 : i32
    scf.for %scan3A_304 = %scan3A_28 to %scan3A_30 step %scan3A_31  : i32 {
      %mul3A_305 = arith.constant 16 : i32
      %mul3A_306 = arith.muli %scan3A_304, %mul3A_305 : i32
      %add3A_307 = arith.addi %mul3A_27, %mul3A_306 : i32
      %add3A_308 = vector.broadcast %add3A_307 : i32 to vector<16xi32>
      %add3A_309 = arith.addi %add3A_308, %iota3A : vector<16xi32>
      %rem3A_310 = arith.constant 50 : i32
      %rem3A_311 = vector.broadcast %rem3A_310 : i32 to vector<16xi32>
      %rem3A_312 = arith.remsi %add3A_309, %rem3A_311 : vector<16xi32>
      %div3A = arith.constant 50 : i32
      %div3A_313 = vector.broadcast %div3A : i32 to vector<16xi32>
      %div3A_314 = arith.divsi %add3A_309, %div3A_313 : vector<16xi32>
      %rem3A_315 = arith.constant 4096 : i32
      %rem3A_316 = vector.broadcast %rem3A_315 : i32 to vector<16xi32>
      %rem3A_317 = arith.remsi %div3A_314, %rem3A_316 : vector<16xi32>
      %div3A_318 = arith.constant 4096 : i32
      %div3A_319 = vector.broadcast %div3A_318 : i32 to vector<16xi32>
      %div3A_320 = arith.divsi %div3A_314, %div3A_319 : vector<16xi32>
      %mul3A_321 = arith.constant 16384 : i32
      %mul3A_322 = vector.broadcast %mul3A_321 : i32 to vector<16xi32>
      %mul3A_323 = arith.muli %rem3A_312, %mul3A_322 : vector<16xi32>
      %mul3A_324 = arith.constant 4 : i32
      %mul3A_325 = vector.broadcast %mul3A_324 : i32 to vector<16xi32>
      %mul3A_326 = arith.muli %rem3A_317, %mul3A_325 : vector<16xi32>
      %add3A_327 = arith.addi %mul3A_323, %mul3A_326 : vector<16xi32>
      %add3A_328 = arith.addi %add3A_327, %div3A_320 : vector<16xi32>
      %div3A_329 = arith.constant 8 : i32
      %div3A_330 = arith.divsi %scan3A_304, %div3A_329 : i32
      %rem3A_331 = arith.constant 8 : i32
      %rem3A_332 = arith.remsi %scan3A_304, %rem3A_331 : i32
      %mul3A_333 = arith.constant 16 : i32
      %mul3A_334 = arith.muli %rem3A_332, %mul3A_333 : i32
      %swap3A = arith.constant 0 : i32
      %swap3A_335 = arith.index_cast %swap3A : i32 to index
      %swap3A_336 = arith.index_cast %div3A_330 : i32 to index
      %swap3A_337 = arith.index_cast %mul3A_334 : i32 to index
      %swap3A_338 = tpu.vector_load %arg7[%swap3A_335, %swap3A_336, %swap3A_337] {strides = array<i32>} : memref<2x10x128xi32, #tpu.memory_space<vmem>>, vector<1x1x16xi32>,
      %swap3A_339 = vector.shape_cast %swap3A_338 : vector<1x1x16xi32> to vector<16xi32>
      %swap3A_340 = vector.shape_cast %add3A_328 : vector<16xi32> to vector<1x1x16xi32>
      tpu.vector_store %arg7[%swap3A_335, %swap3A_336, %swap3A_337], %swap3A_340 {strides = array<i32>} : memref<2x10x128xi32, #tpu.memory_space<vmem>>, vector<1x1x16xi32>,
    }
    %scan3A_32 = arith.constant 80 : i32
    %scan3A_33 = arith.constant 0 : i32
    %scan3A_34 = arith.constant 0 : i32
    %scan3A_35 = arith.constant 20 : i32
    %scan3A_36 = arith.addi %scan3A_34, %scan3A_35 : i32
    %scan3A_37 = arith.constant 1 : i32
    scf.for %scan3A_304 = %scan3A_34 to %scan3A_36 step %scan3A_37  : i32 {
      %rem3A_305 = arith.constant 2 : i32
      %rem3A_306 = arith.remsi %scan3A_304, %rem3A_305 : i32
      %add3A_307 = arith.constant 1 : i32
      %add3A_308 = arith.addi %scan3A_304, %add3A_307 : i32
      %rem3A_309 = arith.constant 2 : i32
      %rem3A_310 = arith.remsi %add3A_308, %rem3A_309 : i32
      %add3A_311 = arith.constant 1 : i32
      %add3A_312 = arith.addi %scan3A_304, %add3A_311 : i32
      %lt3A = arith.constant 20 : i32
      %lt3A_313 = arith.cmpi slt, %add3A_312, %lt3A : i32
      %convert_element_type3A = arith.extui %lt3A_313 : i1 to i32
      %cond3A = arith.constant 0 : i32
      %cond3A_314 = arith.cmpi ne, %convert_element_type3A, %cond3A : i32
      scf.if %cond3A_314 {
        %ge3A = arith.constant 1 : i32
        %ge3A_457 = arith.cmpi sge, %scan3A_304, %ge3A : i32
        %convert_element_type3A_458 = arith.extui %ge3A_457 : i1 to i32
        %cond3A_459 = arith.constant 0 : i32
        %cond3A_460 = arith.cmpi ne, %convert_element_type3A_458, %cond3A_459 : i32
        scf.if %cond3A_460 {
          %sub3A = arith.constant 1 : i32
          %sub3A_486 = arith.subi %scan3A_304, %sub3A : i32
          %dma_wait3A_487 = arith.constant 0 : i32
          %dma_wait3A_488 = arith.constant 0 : i32
          %dma_wait3A_489 = arith.constant 0 : i32
          %dma_wait3A_490 = tpu.memref_slice %arg6[%rem3A_310, %dma_wait3A_488, %dma_wait3A_489] : memref<2x1280x32xf32, #tpu.memory_space<vmem>> -> memref<1x128x32xf32, #tpu.memory_space<vmem>>
          %dma_wait3A_491 = tpu.memref_squeeze %dma_wait3A_490 : memref<1x128x32xf32, #tpu.memory_space<vmem>> -> memref<128x32xf32, #tpu.memory_space<vmem>>
          %dma_wait3A_492 = arith.constant 0 : i32
          %dma_wait3A_493 = tpu.memref_slice %arg7[%rem3A_310, %dma_wait3A_487, %dma_wait3A_492] : memref<2x10x128xi32, #tpu.memory_space<vmem>> -> memref<1x1x128xi32, #tpu.memory_space<vmem>>
          %dma_wait3A_494 = tpu.memref_squeeze %dma_wait3A_493 : memref<1x1x128xi32, #tpu.memory_space<vmem>> -> memref<128xi32, #tpu.memory_space<vmem>>
          %dma_wait3A_495 = arith.constant 0 : i32
          %dma_wait3A_496 = arith.constant 0 : i32
          %dma_wait3A_497 = tpu.memref_slice %arg4[%dma_wait3A_495, %dma_wait3A_496] : memref<819200x32xf32, #tpu.memory_space<hbm>> -> memref<819200x32xf32, #tpu.memory_space<hbm>>
          %dma_wait3A_498 = tpu.memref_slice %arg9[%rem3A_310] : memref<2x!tpu.dma_semaphore, #tpu.memory_space<semaphore_mem>> -> memref<1x!tpu.dma_semaphore, #tpu.memory_space<semaphore_mem>>
          %dma_wait3A_499 = tpu.memref_squeeze %dma_wait3A_498 : memref<1x!tpu.dma_semaphore, #tpu.memory_space<semaphore_mem>> -> memref<!tpu.dma_semaphore, #tpu.memory_space<semaphore_mem>>
          tpu.wait_indirect_dma semaphore(%dma_wait3A_499 : memref<!tpu.dma_semaphore, #tpu.memory_space<semaphore_mem>>) src(%dma_wait3A_491 : memref<128x32xf32, #tpu.memory_space<vmem>>) dst(%dma_wait3A_497 : memref<819200x32xf32, #tpu.memory_space<hbm>>)
          %dma_wait3A_500 = arith.constant 1 : i32
          %dma_wait3A_501 = arith.constant 128 : i32
          %dma_wait3A_502 = arith.constant 0 : i32
          %dma_wait3A_503 = tpu.memref_slice %arg6[%rem3A_310, %dma_wait3A_501, %dma_wait3A_502] : memref<2x1280x32xf32, #tpu.memory_space<vmem>> -> memref<1x128x32xf32, #tpu.memory_space<vmem>>
          %dma_wait3A_504 = tpu.memref_squeeze %dma_wait3A_503 : memref<1x128x32xf32, #tpu.memory_space<vmem>> -> memref<128x32xf32, #tpu.memory_space<vmem>>
          %dma_wait3A_505 = arith.constant 0 : i32
          %dma_wait3A_506 = tpu.memref_slice %arg7[%rem3A_310, %dma_wait3A_500, %dma_wait3A_505] : memref<2x10x128xi32, #tpu.memory_space<vmem>> -> memref<1x1x128xi32, #tpu.memory_space<vmem>>
          %dma_wait3A_507 = tpu.memref_squeeze %dma_wait3A_506 : memref<1x1x128xi32, #tpu.memory_space<vmem>> -> memref<128xi32, #tpu.memory_space<vmem>>
          %dma_wait3A_508 = arith.constant 0 : i32
          %dma_wait3A_509 = arith.constant 0 : i32
          %dma_wait3A_510 = tpu.memref_slice %arg4[%dma_wait3A_508, %dma_wait3A_509] : memref<819200x32xf32, #tpu.memory_space<hbm>> -> memref<819200x32xf32, #tpu.memory_space<hbm>>
          %dma_wait3A_511 = tpu.memref_slice %arg9[%rem3A_310] : memref<2x!tpu.dma_semaphore, #tpu.memory_space<semaphore_mem>> -> memref<1x!tpu.dma_semaphore, #tpu.memory_space<semaphore_mem>>
          %dma_wait3A_512 = tpu.memref_squeeze %dma_wait3A_511 : memref<1x!tpu.dma_semaphore, #tpu.memory_space<semaphore_mem>> -> memref<!tpu.dma_semaphore, #tpu.memory_space<semaphore_mem>>
          tpu.wait_indirect_dma semaphore(%dma_wait3A_512 : memref<!tpu.dma_semaphore, #tpu.memory_space<semaphore_mem>>) src(%dma_wait3A_504 : memref<128x32xf32, #tpu.memory_space<vmem>>) dst(%dma_wait3A_510 : memref<819200x32xf32, #tpu.memory_space<hbm>>)
          %dma_wait3A_513 = arith.constant 2 : i32
          %dma_wait3A_514 = arith.constant 256 : i32
          %dma_wait3A_515 = arith.constant 0 : i32
          %dma_wait3A_516 = tpu.memref_slice %arg6[%rem3A_310, %dma_wait3A_514, %dma_wait3A_515] : memref<2x1280x32xf32, #tpu.memory_space<vmem>> -> memref<1x128x32xf32, #tpu.memory_space<vmem>>
          %dma_wait3A_517 = tpu.memref_squeeze %dma_wait3A_516 : memref<1x128x32xf32, #tpu.memory_space<vmem>> -> memref<128x32xf32, #tpu.memory_space<vmem>>
          %dma_wait3A_518 = arith.constant 0 : i32
          %dma_wait3A_519 = tpu.memref_slice %arg7[%rem3A_310, %dma_wait3A_513, %dma_wait3A_518] : memref<2x10x128xi32, #tpu.memory_space<vmem>> -> memref<1x1x128xi32, #tpu.memory_space<vmem>>
          %dma_wait3A_520 = tpu.memref_squeeze %dma_wait3A_519 : memref<1x1x128xi32, #tpu.memory_space<vmem>> -> memref<128xi32, #tpu.memory_space<vmem>>
          %dma_wait3A_521 = arith.constant 0 : i32
          %dma_wait3A_522 = arith.constant 0 : i32
          %dma_wait3A_523 = tpu.memref_slice %arg4[%dma_wait3A_521, %dma_wait3A_522] : memref<819200x32xf32, #tpu.memory_space<hbm>> -> memref<819200x32xf32, #tpu.memory_space<hbm>>
          %dma_wait3A_524 = tpu.memref_slice %arg9[%rem3A_310] : memref<2x!tpu.dma_semaphore, #tpu.memory_space<semaphore_mem>> -> memref<1x!tpu.dma_semaphore, #tpu.memory_space<semaphore_mem>>
          %dma_wait3A_525 = tpu.memref_squeeze %dma_wait3A_524 : memref<1x!tpu.dma_semaphore, #tpu.memory_space<semaphore_mem>> -> memref<!tpu.dma_semaphore, #tpu.memory_space<semaphore_mem>>
          tpu.wait_indirect_dma semaphore(%dma_wait3A_525 : memref<!tpu.dma_semaphore, #tpu.memory_space<semaphore_mem>>) src(%dma_wait3A_517 : memref<128x32xf32, #tpu.memory_space<vmem>>) dst(%dma_wait3A_523 : memref<819200x32xf32, #tpu.memory_space<hbm>>)
          %dma_wait3A_526 = arith.constant 3 : i32
          %dma_wait3A_527 = arith.constant 384 : i32
          %dma_wait3A_528 = arith.constant 0 : i32
          %dma_wait3A_529 = tpu.memref_slice %arg6[%rem3A_310, %dma_wait3A_527, %dma_wait3A_528] : memref<2x1280x32xf32, #tpu.memory_space<vmem>> -> memref<1x128x32xf32, #tpu.memory_space<vmem>>
          %dma_wait3A_530 = tpu.memref_squeeze %dma_wait3A_529 : memref<1x128x32xf32, #tpu.memory_space<vmem>> -> memref<128x32xf32, #tpu.memory_space<vmem>>
          %dma_wait3A_531 = arith.constant 0 : i32
          %dma_wait3A_532 = tpu.memref_slice %arg7[%rem3A_310, %dma_wait3A_526, %dma_wait3A_531] : memref<2x10x128xi32, #tpu.memory_space<vmem>> -> memref<1x1x128xi32, #tpu.memory_space<vmem>>
          %dma_wait3A_533 = tpu.memref_squeeze %dma_wait3A_532 : memref<1x1x128xi32, #tpu.memory_space<vmem>> -> memref<128xi32, #tpu.memory_space<vmem>>
          %dma_wait3A_534 = arith.constant 0 : i32
          %dma_wait3A_535 = arith.constant 0 : i32
          %dma_wait3A_536 = tpu.memref_slice %arg4[%dma_wait3A_534, %dma_wait3A_535] : memref<819200x32xf32, #tpu.memory_space<hbm>> -> memref<819200x32xf32, #tpu.memory_space<hbm>>
          %dma_wait3A_537 = tpu.memref_slice %arg9[%rem3A_310] : memref<2x!tpu.dma_semaphore, #tpu.memory_space<semaphore_mem>> -> memref<1x!tpu.dma_semaphore, #tpu.memory_space<semaphore_mem>>
          %dma_wait3A_538 = tpu.memref_squeeze %dma_wait3A_537 : memref<1x!tpu.dma_semaphore, #tpu.memory_space<semaphore_mem>> -> memref<!tpu.dma_semaphore, #tpu.memory_space<semaphore_mem>>
          tpu.wait_indirect_dma semaphore(%dma_wait3A_538 : memref<!tpu.dma_semaphore, #tpu.memory_space<semaphore_mem>>) src(%dma_wait3A_530 : memref<128x32xf32, #tpu.memory_space<vmem>>) dst(%dma_wait3A_536 : memref<819200x32xf32, #tpu.memory_space<hbm>>)
          %dma_wait3A_539 = arith.constant 4 : i32
          %dma_wait3A_540 = arith.constant 512 : i32
          %dma_wait3A_541 = arith.constant 0 : i32
          %dma_wait3A_542 = tpu.memref_slice %arg6[%rem3A_310, %dma_wait3A_540, %dma_wait3A_541] : memref<2x1280x32xf32, #tpu.memory_space<vmem>> -> memref<1x128x32xf32, #tpu.memory_space<vmem>>
          %dma_wait3A_543 = tpu.memref_squeeze %dma_wait3A_542 : memref<1x128x32xf32, #tpu.memory_space<vmem>> -> memref<128x32xf32, #tpu.memory_space<vmem>>
          %dma_wait3A_544 = arith.constant 0 : i32
          %dma_wait3A_545 = tpu.memref_slice %arg7[%rem3A_310, %dma_wait3A_539, %dma_wait3A_544] : memref<2x10x128xi32, #tpu.memory_space<vmem>> -> memref<1x1x128xi32, #tpu.memory_space<vmem>>
          %dma_wait3A_546 = tpu.memref_squeeze %dma_wait3A_545 : memref<1x1x128xi32, #tpu.memory_space<vmem>> -> memref<128xi32, #tpu.memory_space<vmem>>
          %dma_wait3A_547 = arith.constant 0 : i32
          %dma_wait3A_548 = arith.constant 0 : i32
          %dma_wait3A_549 = tpu.memref_slice %arg4[%dma_wait3A_547, %dma_wait3A_548] : memref<819200x32xf32, #tpu.memory_space<hbm>> -> memref<819200x32xf32, #tpu.memory_space<hbm>>
          %dma_wait3A_550 = tpu.memref_slice %arg9[%rem3A_310] : memref<2x!tpu.dma_semaphore, #tpu.memory_space<semaphore_mem>> -> memref<1x!tpu.dma_semaphore, #tpu.memory_space<semaphore_mem>>
          %dma_wait3A_551 = tpu.memref_squeeze %dma_wait3A_550 : memref<1x!tpu.dma_semaphore, #tpu.memory_space<semaphore_mem>> -> memref<!tpu.dma_semaphore, #tpu.memory_space<semaphore_mem>>
          tpu.wait_indirect_dma semaphore(%dma_wait3A_551 : memref<!tpu.dma_semaphore, #tpu.memory_space<semaphore_mem>>) src(%dma_wait3A_543 : memref<128x32xf32, #tpu.memory_space<vmem>>) dst(%dma_wait3A_549 : memref<819200x32xf32, #tpu.memory_space<hbm>>)
          %dma_wait3A_552 = arith.constant 5 : i32
          %dma_wait3A_553 = arith.constant 640 : i32
          %dma_wait3A_554 = arith.constant 0 : i32
          %dma_wait3A_555 = tpu.memref_slice %arg6[%rem3A_310, %dma_wait3A_553, %dma_wait3A_554] : memref<2x1280x32xf32, #tpu.memory_space<vmem>> -> memref<1x128x32xf32, #tpu.memory_space<vmem>>
          %dma_wait3A_556 = tpu.memref_squeeze %dma_wait3A_555 : memref<1x128x32xf32, #tpu.memory_space<vmem>> -> memref<128x32xf32, #tpu.memory_space<vmem>>
          %dma_wait3A_557 = arith.constant 0 : i32
          %dma_wait3A_558 = tpu.memref_slice %arg7[%rem3A_310, %dma_wait3A_552, %dma_wait3A_557] : memref<2x10x128xi32, #tpu.memory_space<vmem>> -> memref<1x1x128xi32, #tpu.memory_space<vmem>>
          %dma_wait3A_559 = tpu.memref_squeeze %dma_wait3A_558 : memref<1x1x128xi32, #tpu.memory_space<vmem>> -> memref<128xi32, #tpu.memory_space<vmem>>
          %dma_wait3A_560 = arith.constant 0 : i32
          %dma_wait3A_561 = arith.constant 0 : i32
          %dma_wait3A_562 = tpu.memref_slice %arg4[%dma_wait3A_560, %dma_wait3A_561] : memref<819200x32xf32, #tpu.memory_space<hbm>> -> memref<819200x32xf32, #tpu.memory_space<hbm>>
          %dma_wait3A_563 = tpu.memref_slice %arg9[%rem3A_310] : memref<2x!tpu.dma_semaphore, #tpu.memory_space<semaphore_mem>> -> memref<1x!tpu.dma_semaphore, #tpu.memory_space<semaphore_mem>>
          %dma_wait3A_564 = tpu.memref_squeeze %dma_wait3A_563 : memref<1x!tpu.dma_semaphore, #tpu.memory_space<semaphore_mem>> -> memref<!tpu.dma_semaphore, #tpu.memory_space<semaphore_mem>>
          tpu.wait_indirect_dma semaphore(%dma_wait3A_564 : memref<!tpu.dma_semaphore, #tpu.memory_space<semaphore_mem>>) src(%dma_wait3A_556 : memref<128x32xf32, #tpu.memory_space<vmem>>) dst(%dma_wait3A_562 : memref<819200x32xf32, #tpu.memory_space<hbm>>)
          %dma_wait3A_565 = arith.constant 6 : i32
          %dma_wait3A_566 = arith.constant 768 : i32
          %dma_wait3A_567 = arith.constant 0 : i32
          %dma_wait3A_568 = tpu.memref_slice %arg6[%rem3A_310, %dma_wait3A_566, %dma_wait3A_567] : memref<2x1280x32xf32, #tpu.memory_space<vmem>> -> memref<1x128x32xf32, #tpu.memory_space<vmem>>
          %dma_wait3A_569 = tpu.memref_squeeze %dma_wait3A_568 : memref<1x128x32xf32, #tpu.memory_space<vmem>> -> memref<128x32xf32, #tpu.memory_space<vmem>>
          %dma_wait3A_570 = arith.constant 0 : i32
          %dma_wait3A_571 = tpu.memref_slice %arg7[%rem3A_310, %dma_wait3A_565, %dma_wait3A_570] : memref<2x10x128xi32, #tpu.memory_space<vmem>> -> memref<1x1x128xi32, #tpu.memory_space<vmem>>
          %dma_wait3A_572 = tpu.memref_squeeze %dma_wait3A_571 : memref<1x1x128xi32, #tpu.memory_space<vmem>> -> memref<128xi32, #tpu.memory_space<vmem>>
          %dma_wait3A_573 = arith.constant 0 : i32
          %dma_wait3A_574 = arith.constant 0 : i32
          %dma_wait3A_575 = tpu.memref_slice %arg4[%dma_wait3A_573, %dma_wait3A_574] : memref<819200x32xf32, #tpu.memory_space<hbm>> -> memref<819200x32xf32, #tpu.memory_space<hbm>>
          %dma_wait3A_576 = tpu.memref_slice %arg9[%rem3A_310] : memref<2x!tpu.dma_semaphore, #tpu.memory_space<semaphore_mem>> -> memref<1x!tpu.dma_semaphore, #tpu.memory_space<semaphore_mem>>
          %dma_wait3A_577 = tpu.memref_squeeze %dma_wait3A_576 : memref<1x!tpu.dma_semaphore, #tpu.memory_space<semaphore_mem>> -> memref<!tpu.dma_semaphore, #tpu.memory_space<semaphore_mem>>
          tpu.wait_indirect_dma semaphore(%dma_wait3A_577 : memref<!tpu.dma_semaphore, #tpu.memory_space<semaphore_mem>>) src(%dma_wait3A_569 : memref<128x32xf32, #tpu.memory_space<vmem>>) dst(%dma_wait3A_575 : memref<819200x32xf32, #tpu.memory_space<hbm>>)
          %dma_wait3A_578 = arith.constant 7 : i32
          %dma_wait3A_579 = arith.constant 896 : i32
          %dma_wait3A_580 = arith.constant 0 : i32
          %dma_wait3A_581 = tpu.memref_slice %arg6[%rem3A_310, %dma_wait3A_579, %dma_wait3A_580] : memref<2x1280x32xf32, #tpu.memory_space<vmem>> -> memref<1x128x32xf32, #tpu.memory_space<vmem>>
          %dma_wait3A_582 = tpu.memref_squeeze %dma_wait3A_581 : memref<1x128x32xf32, #tpu.memory_space<vmem>> -> memref<128x32xf32, #tpu.memory_space<vmem>>
          %dma_wait3A_583 = arith.constant 0 : i32
          %dma_wait3A_584 = tpu.memref_slice %arg7[%rem3A_310, %dma_wait3A_578, %dma_wait3A_583] : memref<2x10x128xi32, #tpu.memory_space<vmem>> -> memref<1x1x128xi32, #tpu.memory_space<vmem>>
          %dma_wait3A_585 = tpu.memref_squeeze %dma_wait3A_584 : memref<1x1x128xi32, #tpu.memory_space<vmem>> -> memref<128xi32, #tpu.memory_space<vmem>>
          %dma_wait3A_586 = arith.constant 0 : i32
          %dma_wait3A_587 = arith.constant 0 : i32
          %dma_wait3A_588 = tpu.memref_slice %arg4[%dma_wait3A_586, %dma_wait3A_587] : memref<819200x32xf32, #tpu.memory_space<hbm>> -> memref<819200x32xf32, #tpu.memory_space<hbm>>
          %dma_wait3A_589 = tpu.memref_slice %arg9[%rem3A_310] : memref<2x!tpu.dma_semaphore, #tpu.memory_space<semaphore_mem>> -> memref<1x!tpu.dma_semaphore, #tpu.memory_space<semaphore_mem>>
          %dma_wait3A_590 = tpu.memref_squeeze %dma_wait3A_589 : memref<1x!tpu.dma_semaphore, #tpu.memory_space<semaphore_mem>> -> memref<!tpu.dma_semaphore, #tpu.memory_space<semaphore_mem>>
          tpu.wait_indirect_dma semaphore(%dma_wait3A_590 : memref<!tpu.dma_semaphore, #tpu.memory_space<semaphore_mem>>) src(%dma_wait3A_582 : memref<128x32xf32, #tpu.memory_space<vmem>>) dst(%dma_wait3A_588 : memref<819200x32xf32, #tpu.memory_space<hbm>>)
          %dma_wait3A_591 = arith.constant 8 : i32
          %dma_wait3A_592 = arith.constant 1024 : i32
          %dma_wait3A_593 = arith.constant 0 : i32
          %dma_wait3A_594 = tpu.memref_slice %arg6[%rem3A_310, %dma_wait3A_592, %dma_wait3A_593] : memref<2x1280x32xf32, #tpu.memory_space<vmem>> -> memref<1x128x32xf32, #tpu.memory_space<vmem>>
          %dma_wait3A_595 = tpu.memref_squeeze %dma_wait3A_594 : memref<1x128x32xf32, #tpu.memory_space<vmem>> -> memref<128x32xf32, #tpu.memory_space<vmem>>
          %dma_wait3A_596 = arith.constant 0 : i32
          %dma_wait3A_597 = tpu.memref_slice %arg7[%rem3A_310, %dma_wait3A_591, %dma_wait3A_596] : memref<2x10x128xi32, #tpu.memory_space<vmem>> -> memref<1x1x128xi32, #tpu.memory_space<vmem>>
          %dma_wait3A_598 = tpu.memref_squeeze %dma_wait3A_597 : memref<1x1x128xi32, #tpu.memory_space<vmem>> -> memref<128xi32, #tpu.memory_space<vmem>>
          %dma_wait3A_599 = arith.constant 0 : i32
          %dma_wait3A_600 = arith.constant 0 : i32
          %dma_wait3A_601 = tpu.memref_slice %arg4[%dma_wait3A_599, %dma_wait3A_600] : memref<819200x32xf32, #tpu.memory_space<hbm>> -> memref<819200x32xf32, #tpu.memory_space<hbm>>
          %dma_wait3A_602 = tpu.memref_slice %arg9[%rem3A_310] : memref<2x!tpu.dma_semaphore, #tpu.memory_space<semaphore_mem>> -> memref<1x!tpu.dma_semaphore, #tpu.memory_space<semaphore_mem>>
          %dma_wait3A_603 = tpu.memref_squeeze %dma_wait3A_602 : memref<1x!tpu.dma_semaphore, #tpu.memory_space<semaphore_mem>> -> memref<!tpu.dma_semaphore, #tpu.memory_space<semaphore_mem>>
          tpu.wait_indirect_dma semaphore(%dma_wait3A_603 : memref<!tpu.dma_semaphore, #tpu.memory_space<semaphore_mem>>) src(%dma_wait3A_595 : memref<128x32xf32, #tpu.memory_space<vmem>>) dst(%dma_wait3A_601 : memref<819200x32xf32, #tpu.memory_space<hbm>>)
          %dma_wait3A_604 = arith.constant 9 : i32
          %dma_wait3A_605 = arith.constant 1152 : i32
          %dma_wait3A_606 = arith.constant 0 : i32
          %dma_wait3A_607 = tpu.memref_slice %arg6[%rem3A_310, %dma_wait3A_605, %dma_wait3A_606] : memref<2x1280x32xf32, #tpu.memory_space<vmem>> -> memref<1x128x32xf32, #tpu.memory_space<vmem>>
          %dma_wait3A_608 = tpu.memref_squeeze %dma_wait3A_607 : memref<1x128x32xf32, #tpu.memory_space<vmem>> -> memref<128x32xf32, #tpu.memory_space<vmem>>
          %dma_wait3A_609 = arith.constant 0 : i32
          %dma_wait3A_610 = tpu.memref_slice %arg7[%rem3A_310, %dma_wait3A_604, %dma_wait3A_609] : memref<2x10x128xi32, #tpu.memory_space<vmem>> -> memref<1x1x128xi32, #tpu.memory_space<vmem>>
          %dma_wait3A_611 = tpu.memref_squeeze %dma_wait3A_610 : memref<1x1x128xi32, #tpu.memory_space<vmem>> -> memref<128xi32, #tpu.memory_space<vmem>>
          %dma_wait3A_612 = arith.constant 0 : i32
          %dma_wait3A_613 = arith.constant 0 : i32
          %dma_wait3A_614 = tpu.memref_slice %arg4[%dma_wait3A_612, %dma_wait3A_613] : memref<819200x32xf32, #tpu.memory_space<hbm>> -> memref<819200x32xf32, #tpu.memory_space<hbm>>
          %dma_wait3A_615 = tpu.memref_slice %arg9[%rem3A_310] : memref<2x!tpu.dma_semaphore, #tpu.memory_space<semaphore_mem>> -> memref<1x!tpu.dma_semaphore, #tpu.memory_space<semaphore_mem>>
          %dma_wait3A_616 = tpu.memref_squeeze %dma_wait3A_615 : memref<1x!tpu.dma_semaphore, #tpu.memory_space<semaphore_mem>> -> memref<!tpu.dma_semaphore, #tpu.memory_space<semaphore_mem>>
          tpu.wait_indirect_dma semaphore(%dma_wait3A_616 : memref<!tpu.dma_semaphore, #tpu.memory_space<semaphore_mem>>) src(%dma_wait3A_608 : memref<128x32xf32, #tpu.memory_space<vmem>>) dst(%dma_wait3A_614 : memref<819200x32xf32, #tpu.memory_space<hbm>>)
        } else {
        }
        %add3A_461 = arith.constant 1 : i32
        %add3A_462 = arith.addi %scan3A_304, %add3A_461 : i32
        %dma_start3A_463 = arith.constant 0 : i32
        %dma_start3A_464 = arith.constant 0 : i32
        %dma_start3A_465 = tpu.memref_slice %arg6[%rem3A_310, %dma_start3A_463, %dma_start3A_464] : memref<2x1280x32xf32, #tpu.memory_space<vmem>> -> memref<1x1280x32xf32, #tpu.memory_space<vmem>>
        %dma_start3A_466 = tpu.memref_squeeze %dma_start3A_465 : memref<1x1280x32xf32, #tpu.memory_space<vmem>> -> memref<1280x32xf32, #tpu.memory_space<vmem>>
        %dma_start3A_467 = arith.constant 0 : i32
        %dma_start3A_468 = tpu.memref_slice %arg5[%add3A_462, %dma_start3A_467] : memref<20x1280xi32, #tpu.memory_space<vmem>> -> memref<1x1280xi32, #tpu.memory_space<vmem>>
        %dma_start3A_469 = tpu.memref_squeeze %dma_start3A_468 : memref<1x1280xi32, #tpu.memory_space<vmem>> -> memref<1280xi32, #tpu.memory_space<vmem>>
        %dma_start3A_470 = arith.constant 0 : i32
        %dma_start3A_471 = arith.constant 0 : i32
        %dma_start3A_472 = tpu.memref_slice %arg3[%dma_start3A_470, %dma_start3A_471] : memref<1003520x32xf32, #tpu.memory_space<hbm>> -> memref<1003520x32xf32, #tpu.memory_space<hbm>>
        %dma_start3A_473 = tpu.memref_slice %arg8[%rem3A_310] : memref<2x!tpu.dma_semaphore, #tpu.memory_space<semaphore_mem>> -> memref<1x!tpu.dma_semaphore, #tpu.memory_space<semaphore_mem>>
        %dma_start3A_474 = tpu.memref_squeeze %dma_start3A_473 : memref<1x!tpu.dma_semaphore, #tpu.memory_space<semaphore_mem>> -> memref<!tpu.dma_semaphore, #tpu.memory_space<semaphore_mem>>
        tpu.enqueue_indirect_dma source(%dma_start3A_472 : memref<1003520x32xf32, #tpu.memory_space<hbm>>) target(%dma_start3A_466 : memref<1280x32xf32, #tpu.memory_space<vmem>>) offsets(%dma_start3A_469 : memref<1280xi32, #tpu.memory_space<vmem>>) semaphore(%dma_start3A_474 : memref<!tpu.dma_semaphore, #tpu.memory_space<semaphore_mem>>)
        %add3A_475 = arith.constant 1 : i32
        %add3A_476 = arith.addi %scan3A_304, %add3A_475 : i32
        %add3A_477 = arith.addi %mul3A_2, %add3A_476 : i32
        %mul3A_478 = arith.constant 1280 : i32
        %mul3A_479 = arith.muli %add3A_477, %mul3A_478 : i32
        %scan3A_480 = arith.constant 0 : i32
        %scan3A_481 = arith.constant 0 : i32
        %scan3A_482 = arith.constant 80 : i32
        %scan3A_483 = arith.addi %scan3A_481, %scan3A_482 : i32
        %scan3A_484 = arith.constant 1 : i32
        scf.for %scan3A_486 = %scan3A_481 to %scan3A_483 step %scan3A_484  : i32 {
          %mul3A_487 = arith.constant 16 : i32
          %mul3A_488 = arith.muli %scan3A_486, %mul3A_487 : i32
          %add3A_489 = arith.addi %mul3A_479, %mul3A_488 : i32
          %add3A_490 = vector.broadcast %add3A_489 : i32 to vector<16xi32>
          %add3A_491 = arith.addi %add3A_490, %iota3A : vector<16xi32>
          %rem3A_492 = arith.constant 50 : i32
          %rem3A_493 = vector.broadcast %rem3A_492 : i32 to vector<16xi32>
          %rem3A_494 = arith.remsi %add3A_491, %rem3A_493 : vector<16xi32>
          %div3A = arith.constant 50 : i32
          %div3A_495 = vector.broadcast %div3A : i32 to vector<16xi32>
          %div3A_496 = arith.divsi %add3A_491, %div3A_495 : vector<16xi32>
          %rem3A_497 = arith.constant 4096 : i32
          %rem3A_498 = vector.broadcast %rem3A_497 : i32 to vector<16xi32>
          %rem3A_499 = arith.remsi %div3A_496, %rem3A_498 : vector<16xi32>
          %div3A_500 = arith.constant 4096 : i32
          %div3A_501 = vector.broadcast %div3A_500 : i32 to vector<16xi32>
          %div3A_502 = arith.divsi %div3A_496, %div3A_501 : vector<16xi32>
          %mul3A_503 = arith.constant 16384 : i32
          %mul3A_504 = vector.broadcast %mul3A_503 : i32 to vector<16xi32>
          %mul3A_505 = arith.muli %rem3A_494, %mul3A_504 : vector<16xi32>
          %mul3A_506 = arith.constant 4 : i32
          %mul3A_507 = vector.broadcast %mul3A_506 : i32 to vector<16xi32>
          %mul3A_508 = arith.muli %rem3A_499, %mul3A_507 : vector<16xi32>
          %add3A_509 = arith.addi %mul3A_505, %mul3A_508 : vector<16xi32>
          %add3A_510 = arith.addi %add3A_509, %div3A_502 : vector<16xi32>
          %div3A_511 = arith.constant 8 : i32
          %div3A_512 = arith.divsi %scan3A_486, %div3A_511 : i32
          %rem3A_513 = arith.constant 8 : i32
          %rem3A_514 = arith.remsi %scan3A_486, %rem3A_513 : i32
          %mul3A_515 = arith.constant 16 : i32
          %mul3A_516 = arith.muli %rem3A_514, %mul3A_515 : i32
          %swap3A = arith.index_cast %rem3A_310 : i32 to index
          %swap3A_517 = arith.index_cast %div3A_512 : i32 to index
          %swap3A_518 = arith.index_cast %mul3A_516 : i32 to index
          %swap3A_519 = tpu.vector_load %arg7[%swap3A, %swap3A_517, %swap3A_518] {strides = array<i32>} : memref<2x10x128xi32, #tpu.memory_space<vmem>>, vector<1x1x16xi32>,
          %swap3A_520 = vector.shape_cast %swap3A_519 : vector<1x1x16xi32> to vector<16xi32>
          %swap3A_521 = vector.shape_cast %add3A_510 : vector<16xi32> to vector<1x1x16xi32>
          tpu.vector_store %arg7[%swap3A, %swap3A_517, %swap3A_518], %swap3A_521 {strides = array<i32>} : memref<2x10x128xi32, #tpu.memory_space<vmem>>, vector<1x1x16xi32>,
        }
        %scan3A_485 = arith.constant 80 : i32
      } else {
      }
      %dma_wait3A_315 = arith.constant 0 : i32
      %dma_wait3A_316 = arith.constant 0 : i32
      %dma_wait3A_317 = tpu.memref_slice %arg6[%rem3A_306, %dma_wait3A_315, %dma_wait3A_316] : memref<2x1280x32xf32, #tpu.memory_space<vmem>> -> memref<1x1280x32xf32, #tpu.memory_space<vmem>>
      %dma_wait3A_318 = tpu.memref_squeeze %dma_wait3A_317 : memref<1x1280x32xf32, #tpu.memory_space<vmem>> -> memref<1280x32xf32, #tpu.memory_space<vmem>>
      %dma_wait3A_319 = arith.constant 0 : i32
      %dma_wait3A_320 = tpu.memref_slice %arg5[%scan3A_304, %dma_wait3A_319] : memref<20x1280xi32, #tpu.memory_space<vmem>> -> memref<1x1280xi32, #tpu.memory_space<vmem>>
      %dma_wait3A_321 = tpu.memref_squeeze %dma_wait3A_320 : memref<1x1280xi32, #tpu.memory_space<vmem>> -> memref<1280xi32, #tpu.memory_space<vmem>>
      %dma_wait3A_322 = arith.constant 0 : i32
      %dma_wait3A_323 = arith.constant 0 : i32
      %dma_wait3A_324 = tpu.memref_slice %arg3[%dma_wait3A_322, %dma_wait3A_323] : memref<1003520x32xf32, #tpu.memory_space<hbm>> -> memref<1003520x32xf32, #tpu.memory_space<hbm>>
      %dma_wait3A_325 = tpu.memref_slice %arg8[%rem3A_306] : memref<2x!tpu.dma_semaphore, #tpu.memory_space<semaphore_mem>> -> memref<1x!tpu.dma_semaphore, #tpu.memory_space<semaphore_mem>>
      %dma_wait3A_326 = tpu.memref_squeeze %dma_wait3A_325 : memref<1x!tpu.dma_semaphore, #tpu.memory_space<semaphore_mem>> -> memref<!tpu.dma_semaphore, #tpu.memory_space<semaphore_mem>>
      tpu.wait_indirect_dma semaphore(%dma_wait3A_326 : memref<!tpu.dma_semaphore, #tpu.memory_space<semaphore_mem>>) src(%dma_wait3A_324 : memref<1003520x32xf32, #tpu.memory_space<hbm>>) dst(%dma_wait3A_318 : memref<1280x32xf32, #tpu.memory_space<vmem>>)
      %dma_start3A_327 = arith.constant 0 : i32
      %dma_start3A_328 = arith.constant 0 : i32
      %dma_start3A_329 = arith.constant 0 : i32
      %dma_start3A_330 = tpu.memref_slice %arg6[%rem3A_306, %dma_start3A_328, %dma_start3A_329] : memref<2x1280x32xf32, #tpu.memory_space<vmem>> -> memref<1x128x32xf32, #tpu.memory_space<vmem>>
      %dma_start3A_331 = tpu.memref_squeeze %dma_start3A_330 : memref<1x128x32xf32, #tpu.memory_space<vmem>> -> memref<128x32xf32, #tpu.memory_space<vmem>>
      %dma_start3A_332 = arith.constant 0 : i32
      %dma_start3A_333 = tpu.memref_slice %arg7[%rem3A_306, %dma_start3A_327, %dma_start3A_332] : memref<2x10x128xi32, #tpu.memory_space<vmem>> -> memref<1x1x128xi32, #tpu.memory_space<vmem>>
      %dma_start3A_334 = tpu.memref_squeeze %dma_start3A_333 : memref<1x1x128xi32, #tpu.memory_space<vmem>> -> memref<128xi32, #tpu.memory_space<vmem>>
      %dma_start3A_335 = arith.constant 0 : i32
      %dma_start3A_336 = arith.constant 0 : i32
      %dma_start3A_337 = tpu.memref_slice %arg4[%dma_start3A_335, %dma_start3A_336] : memref<819200x32xf32, #tpu.memory_space<hbm>> -> memref<819200x32xf32, #tpu.memory_space<hbm>>
      %dma_start3A_338 = tpu.memref_slice %arg9[%rem3A_306] : memref<2x!tpu.dma_semaphore, #tpu.memory_space<semaphore_mem>> -> memref<1x!tpu.dma_semaphore, #tpu.memory_space<semaphore_mem>>
      %dma_start3A_339 = tpu.memref_squeeze %dma_start3A_338 : memref<1x!tpu.dma_semaphore, #tpu.memory_space<semaphore_mem>> -> memref<!tpu.dma_semaphore, #tpu.memory_space<semaphore_mem>>
      tpu.enqueue_indirect_dma source(%dma_start3A_331 : memref<128x32xf32, #tpu.memory_space<vmem>>) target(%dma_start3A_337 : memref<819200x32xf32, #tpu.memory_space<hbm>>) offsets(%dma_start3A_334 : memref<128xi32, #tpu.memory_space<vmem>>) semaphore(%dma_start3A_339 : memref<!tpu.dma_semaphore, #tpu.memory_space<semaphore_mem>>)
      %dma_start3A_340 = arith.constant 1 : i32
      %dma_start3A_341 = arith.constant 128 : i32
      %dma_start3A_342 = arith.constant 0 : i32
      %dma_start3A_343 = tpu.memref_slice %arg6[%rem3A_306, %dma_start3A_341, %dma_start3A_342] : memref<2x1280x32xf32, #tpu.memory_space<vmem>> -> memref<1x128x32xf32, #tpu.memory_space<vmem>>
      %dma_start3A_344 = tpu.memref_squeeze %dma_start3A_343 : memref<1x128x32xf32, #tpu.memory_space<vmem>> -> memref<128x32xf32, #tpu.memory_space<vmem>>
      %dma_start3A_345 = arith.constant 0 : i32
      %dma_start3A_346 = tpu.memref_slice %arg7[%rem3A_306, %dma_start3A_340, %dma_start3A_345] : memref<2x10x128xi32, #tpu.memory_space<vmem>> -> memref<1x1x128xi32, #tpu.memory_space<vmem>>
      %dma_start3A_347 = tpu.memref_squeeze %dma_start3A_346 : memref<1x1x128xi32, #tpu.memory_space<vmem>> -> memref<128xi32, #tpu.memory_space<vmem>>
      %dma_start3A_348 = arith.constant 0 : i32
      %dma_start3A_349 = arith.constant 0 : i32
      %dma_start3A_350 = tpu.memref_slice %arg4[%dma_start3A_348, %dma_start3A_349] : memref<819200x32xf32, #tpu.memory_space<hbm>> -> memref<819200x32xf32, #tpu.memory_space<hbm>>
      %dma_start3A_351 = tpu.memref_slice %arg9[%rem3A_306] : memref<2x!tpu.dma_semaphore, #tpu.memory_space<semaphore_mem>> -> memref<1x!tpu.dma_semaphore, #tpu.memory_space<semaphore_mem>>
      %dma_start3A_352 = tpu.memref_squeeze %dma_start3A_351 : memref<1x!tpu.dma_semaphore, #tpu.memory_space<semaphore_mem>> -> memref<!tpu.dma_semaphore, #tpu.memory_space<semaphore_mem>>
      tpu.enqueue_indirect_dma source(%dma_start3A_344 : memref<128x32xf32, #tpu.memory_space<vmem>>) target(%dma_start3A_350 : memref<819200x32xf32, #tpu.memory_space<hbm>>) offsets(%dma_start3A_347 : memref<128xi32, #tpu.memory_space<vmem>>) semaphore(%dma_start3A_352 : memref<!tpu.dma_semaphore, #tpu.memory_space<semaphore_mem>>)
      %dma_start3A_353 = arith.constant 2 : i32
      %dma_start3A_354 = arith.constant 256 : i32
      %dma_start3A_355 = arith.constant 0 : i32
      %dma_start3A_356 = tpu.memref_slice %arg6[%rem3A_306, %dma_start3A_354, %dma_start3A_355] : memref<2x1280x32xf32, #tpu.memory_space<vmem>> -> memref<1x128x32xf32, #tpu.memory_space<vmem>>
      %dma_start3A_357 = tpu.memref_squeeze %dma_start3A_356 : memref<1x128x32xf32, #tpu.memory_space<vmem>> -> memref<128x32xf32, #tpu.memory_space<vmem>>
      %dma_start3A_358 = arith.constant 0 : i32
      %dma_start3A_359 = tpu.memref_slice %arg7[%rem3A_306, %dma_start3A_353, %dma_start3A_358] : memref<2x10x128xi32, #tpu.memory_space<vmem>> -> memref<1x1x128xi32, #tpu.memory_space<vmem>>
      %dma_start3A_360 = tpu.memref_squeeze %dma_start3A_359 : memref<1x1x128xi32, #tpu.memory_space<vmem>> -> memref<128xi32, #tpu.memory_space<vmem>>
      %dma_start3A_361 = arith.constant 0 : i32
      %dma_start3A_362 = arith.constant 0 : i32
      %dma_start3A_363 = tpu.memref_slice %arg4[%dma_start3A_361, %dma_start3A_362] : memref<819200x32xf32, #tpu.memory_space<hbm>> -> memref<819200x32xf32, #tpu.memory_space<hbm>>
      %dma_start3A_364 = tpu.memref_slice %arg9[%rem3A_306] : memref<2x!tpu.dma_semaphore, #tpu.memory_space<semaphore_mem>> -> memref<1x!tpu.dma_semaphore, #tpu.memory_space<semaphore_mem>>
      %dma_start3A_365 = tpu.memref_squeeze %dma_start3A_364 : memref<1x!tpu.dma_semaphore, #tpu.memory_space<semaphore_mem>> -> memref<!tpu.dma_semaphore, #tpu.memory_space<semaphore_mem>>
      tpu.enqueue_indirect_dma source(%dma_start3A_357 : memref<128x32xf32, #tpu.memory_space<vmem>>) target(%dma_start3A_363 : memref<819200x32xf32, #tpu.memory_space<hbm>>) offsets(%dma_start3A_360 : memref<128xi32, #tpu.memory_space<vmem>>) semaphore(%dma_start3A_365 : memref<!tpu.dma_semaphore, #tpu.memory_space<semaphore_mem>>)
      %dma_start3A_366 = arith.constant 3 : i32
      %dma_start3A_367 = arith.constant 384 : i32
      %dma_start3A_368 = arith.constant 0 : i32
      %dma_start3A_369 = tpu.memref_slice %arg6[%rem3A_306, %dma_start3A_367, %dma_start3A_368] : memref<2x1280x32xf32, #tpu.memory_space<vmem>> -> memref<1x128x32xf32, #tpu.memory_space<vmem>>
      %dma_start3A_370 = tpu.memref_squeeze %dma_start3A_369 : memref<1x128x32xf32, #tpu.memory_space<vmem>> -> memref<128x32xf32, #tpu.memory_space<vmem>>
      %dma_start3A_371 = arith.constant 0 : i32
      %dma_start3A_372 = tpu.memref_slice %arg7[%rem3A_306, %dma_start3A_366, %dma_start3A_371] : memref<2x10x128xi32, #tpu.memory_space<vmem>> -> memref<1x1x128xi32, #tpu.memory_space<vmem>>
      %dma_start3A_373 = tpu.memref_squeeze %dma_start3A_372 : memref<1x1x128xi32, #tpu.memory_space<vmem>> -> memref<128xi32, #tpu.memory_space<vmem>>
      %dma_start3A_374 = arith.constant 0 : i32
      %dma_start3A_375 = arith.constant 0 : i32
      %dma_start3A_376 = tpu.memref_slice %arg4[%dma_start3A_374, %dma_start3A_375] : memref<819200x32xf32, #tpu.memory_space<hbm>> -> memref<819200x32xf32, #tpu.memory_space<hbm>>
      %dma_start3A_377 = tpu.memref_slice %arg9[%rem3A_306] : memref<2x!tpu.dma_semaphore, #tpu.memory_space<semaphore_mem>> -> memref<1x!tpu.dma_semaphore, #tpu.memory_space<semaphore_mem>>
      %dma_start3A_378 = tpu.memref_squeeze %dma_start3A_377 : memref<1x!tpu.dma_semaphore, #tpu.memory_space<semaphore_mem>> -> memref<!tpu.dma_semaphore, #tpu.memory_space<semaphore_mem>>
      tpu.enqueue_indirect_dma source(%dma_start3A_370 : memref<128x32xf32, #tpu.memory_space<vmem>>) target(%dma_start3A_376 : memref<819200x32xf32, #tpu.memory_space<hbm>>) offsets(%dma_start3A_373 : memref<128xi32, #tpu.memory_space<vmem>>) semaphore(%dma_start3A_378 : memref<!tpu.dma_semaphore, #tpu.memory_space<semaphore_mem>>)
      %dma_start3A_379 = arith.constant 4 : i32
      %dma_start3A_380 = arith.constant 512 : i32
      %dma_start3A_381 = arith.constant 0 : i32
      %dma_start3A_382 = tpu.memref_slice %arg6[%rem3A_306, %dma_start3A_380, %dma_start3A_381] : memref<2x1280x32xf32, #tpu.memory_space<vmem>> -> memref<1x128x32xf32, #tpu.memory_space<vmem>>
      %dma_start3A_383 = tpu.memref_squeeze %dma_start3A_382 : memref<1x128x32xf32, #tpu.memory_space<vmem>> -> memref<128x32xf32, #tpu.memory_space<vmem>>
      %dma_start3A_384 = arith.constant 0 : i32
      %dma_start3A_385 = tpu.memref_slice %arg7[%rem3A_306, %dma_start3A_379, %dma_start3A_384] : memref<2x10x128xi32, #tpu.memory_space<vmem>> -> memref<1x1x128xi32, #tpu.memory_space<vmem>>
      %dma_start3A_386 = tpu.memref_squeeze %dma_start3A_385 : memref<1x1x128xi32, #tpu.memory_space<vmem>> -> memref<128xi32, #tpu.memory_space<vmem>>
      %dma_start3A_387 = arith.constant 0 : i32
      %dma_start3A_388 = arith.constant 0 : i32
      %dma_start3A_389 = tpu.memref_slice %arg4[%dma_start3A_387, %dma_start3A_388] : memref<819200x32xf32, #tpu.memory_space<hbm>> -> memref<819200x32xf32, #tpu.memory_space<hbm>>
      %dma_start3A_390 = tpu.memref_slice %arg9[%rem3A_306] : memref<2x!tpu.dma_semaphore, #tpu.memory_space<semaphore_mem>> -> memref<1x!tpu.dma_semaphore, #tpu.memory_space<semaphore_mem>>
      %dma_start3A_391 = tpu.memref_squeeze %dma_start3A_390 : memref<1x!tpu.dma_semaphore, #tpu.memory_space<semaphore_mem>> -> memref<!tpu.dma_semaphore, #tpu.memory_space<semaphore_mem>>
      tpu.enqueue_indirect_dma source(%dma_start3A_383 : memref<128x32xf32, #tpu.memory_space<vmem>>) target(%dma_start3A_389 : memref<819200x32xf32, #tpu.memory_space<hbm>>) offsets(%dma_start3A_386 : memref<128xi32, #tpu.memory_space<vmem>>) semaphore(%dma_start3A_391 : memref<!tpu.dma_semaphore, #tpu.memory_space<semaphore_mem>>)
      %dma_start3A_392 = arith.constant 5 : i32
      %dma_start3A_393 = arith.constant 640 : i32
      %dma_start3A_394 = arith.constant 0 : i32
      %dma_start3A_395 = tpu.memref_slice %arg6[%rem3A_306, %dma_start3A_393, %dma_start3A_394] : memref<2x1280x32xf32, #tpu.memory_space<vmem>> -> memref<1x128x32xf32, #tpu.memory_space<vmem>>
      %dma_start3A_396 = tpu.memref_squeeze %dma_start3A_395 : memref<1x128x32xf32, #tpu.memory_space<vmem>> -> memref<128x32xf32, #tpu.memory_space<vmem>>
      %dma_start3A_397 = arith.constant 0 : i32
      %dma_start3A_398 = tpu.memref_slice %arg7[%rem3A_306, %dma_start3A_392, %dma_start3A_397] : memref<2x10x128xi32, #tpu.memory_space<vmem>> -> memref<1x1x128xi32, #tpu.memory_space<vmem>>
      %dma_start3A_399 = tpu.memref_squeeze %dma_start3A_398 : memref<1x1x128xi32, #tpu.memory_space<vmem>> -> memref<128xi32, #tpu.memory_space<vmem>>
      %dma_start3A_400 = arith.constant 0 : i32
      %dma_start3A_401 = arith.constant 0 : i32
      %dma_start3A_402 = tpu.memref_slice %arg4[%dma_start3A_400, %dma_start3A_401] : memref<819200x32xf32, #tpu.memory_space<hbm>> -> memref<819200x32xf32, #tpu.memory_space<hbm>>
      %dma_start3A_403 = tpu.memref_slice %arg9[%rem3A_306] : memref<2x!tpu.dma_semaphore, #tpu.memory_space<semaphore_mem>> -> memref<1x!tpu.dma_semaphore, #tpu.memory_space<semaphore_mem>>
      %dma_start3A_404 = tpu.memref_squeeze %dma_start3A_403 : memref<1x!tpu.dma_semaphore, #tpu.memory_space<semaphore_mem>> -> memref<!tpu.dma_semaphore, #tpu.memory_space<semaphore_mem>>
      tpu.enqueue_indirect_dma source(%dma_start3A_396 : memref<128x32xf32, #tpu.memory_space<vmem>>) target(%dma_start3A_402 : memref<819200x32xf32, #tpu.memory_space<hbm>>) offsets(%dma_start3A_399 : memref<128xi32, #tpu.memory_space<vmem>>) semaphore(%dma_start3A_404 : memref<!tpu.dma_semaphore, #tpu.memory_space<semaphore_mem>>)
      %dma_start3A_405 = arith.constant 6 : i32
      %dma_start3A_406 = arith.constant 768 : i32
      %dma_start3A_407 = arith.constant 0 : i32
      %dma_start3A_408 = tpu.memref_slice %arg6[%rem3A_306, %dma_start3A_406, %dma_start3A_407] : memref<2x1280x32xf32, #tpu.memory_space<vmem>> -> memref<1x128x32xf32, #tpu.memory_space<vmem>>
      %dma_start3A_409 = tpu.memref_squeeze %dma_start3A_408 : memref<1x128x32xf32, #tpu.memory_space<vmem>> -> memref<128x32xf32, #tpu.memory_space<vmem>>
      %dma_start3A_410 = arith.constant 0 : i32
      %dma_start3A_411 = tpu.memref_slice %arg7[%rem3A_306, %dma_start3A_405, %dma_start3A_410] : memref<2x10x128xi32, #tpu.memory_space<vmem>> -> memref<1x1x128xi32, #tpu.memory_space<vmem>>
      %dma_start3A_412 = tpu.memref_squeeze %dma_start3A_411 : memref<1x1x128xi32, #tpu.memory_space<vmem>> -> memref<128xi32, #tpu.memory_space<vmem>>
      %dma_start3A_413 = arith.constant 0 : i32
      %dma_start3A_414 = arith.constant 0 : i32
      %dma_start3A_415 = tpu.memref_slice %arg4[%dma_start3A_413, %dma_start3A_414] : memref<819200x32xf32, #tpu.memory_space<hbm>> -> memref<819200x32xf32, #tpu.memory_space<hbm>>
      %dma_start3A_416 = tpu.memref_slice %arg9[%rem3A_306] : memref<2x!tpu.dma_semaphore, #tpu.memory_space<semaphore_mem>> -> memref<1x!tpu.dma_semaphore, #tpu.memory_space<semaphore_mem>>
      %dma_start3A_417 = tpu.memref_squeeze %dma_start3A_416 : memref<1x!tpu.dma_semaphore, #tpu.memory_space<semaphore_mem>> -> memref<!tpu.dma_semaphore, #tpu.memory_space<semaphore_mem>>
      tpu.enqueue_indirect_dma source(%dma_start3A_409 : memref<128x32xf32, #tpu.memory_space<vmem>>) target(%dma_start3A_415 : memref<819200x32xf32, #tpu.memory_space<hbm>>) offsets(%dma_start3A_412 : memref<128xi32, #tpu.memory_space<vmem>>) semaphore(%dma_start3A_417 : memref<!tpu.dma_semaphore, #tpu.memory_space<semaphore_mem>>)
      %dma_start3A_418 = arith.constant 7 : i32
      %dma_start3A_419 = arith.constant 896 : i32
      %dma_start3A_420 = arith.constant 0 : i32
      %dma_start3A_421 = tpu.memref_slice %arg6[%rem3A_306, %dma_start3A_419, %dma_start3A_420] : memref<2x1280x32xf32, #tpu.memory_space<vmem>> -> memref<1x128x32xf32, #tpu.memory_space<vmem>>
      %dma_start3A_422 = tpu.memref_squeeze %dma_start3A_421 : memref<1x128x32xf32, #tpu.memory_space<vmem>> -> memref<128x32xf32, #tpu.memory_space<vmem>>
      %dma_start3A_423 = arith.constant 0 : i32
      %dma_start3A_424 = tpu.memref_slice %arg7[%rem3A_306, %dma_start3A_418, %dma_start3A_423] : memref<2x10x128xi32, #tpu.memory_space<vmem>> -> memref<1x1x128xi32, #tpu.memory_space<vmem>>
      %dma_start3A_425 = tpu.memref_squeeze %dma_start3A_424 : memref<1x1x128xi32, #tpu.memory_space<vmem>> -> memref<128xi32, #tpu.memory_space<vmem>>
      %dma_start3A_426 = arith.constant 0 : i32
      %dma_start3A_427 = arith.constant 0 : i32
      %dma_start3A_428 = tpu.memref_slice %arg4[%dma_start3A_426, %dma_start3A_427] : memref<819200x32xf32, #tpu.memory_space<hbm>> -> memref<819200x32xf32, #tpu.memory_space<hbm>>
      %dma_start3A_429 = tpu.memref_slice %arg9[%rem3A_306] : memref<2x!tpu.dma_semaphore, #tpu.memory_space<semaphore_mem>> -> memref<1x!tpu.dma_semaphore, #tpu.memory_space<semaphore_mem>>
      %dma_start3A_430 = tpu.memref_squeeze %dma_start3A_429 : memref<1x!tpu.dma_semaphore, #tpu.memory_space<semaphore_mem>> -> memref<!tpu.dma_semaphore, #tpu.memory_space<semaphore_mem>>
      tpu.enqueue_indirect_dma source(%dma_start3A_422 : memref<128x32xf32, #tpu.memory_space<vmem>>) target(%dma_start3A_428 : memref<819200x32xf32, #tpu.memory_space<hbm>>) offsets(%dma_start3A_425 : memref<128xi32, #tpu.memory_space<vmem>>) semaphore(%dma_start3A_430 : memref<!tpu.dma_semaphore, #tpu.memory_space<semaphore_mem>>)
      %dma_start3A_431 = arith.constant 8 : i32
      %dma_start3A_432 = arith.constant 1024 : i32
      %dma_start3A_433 = arith.constant 0 : i32
      %dma_start3A_434 = tpu.memref_slice %arg6[%rem3A_306, %dma_start3A_432, %dma_start3A_433] : memref<2x1280x32xf32, #tpu.memory_space<vmem>> -> memref<1x128x32xf32, #tpu.memory_space<vmem>>
      %dma_start3A_435 = tpu.memref_squeeze %dma_start3A_434 : memref<1x128x32xf32, #tpu.memory_space<vmem>> -> memref<128x32xf32, #tpu.memory_space<vmem>>
      %dma_start3A_436 = arith.constant 0 : i32
      %dma_start3A_437 = tpu.memref_slice %arg7[%rem3A_306, %dma_start3A_431, %dma_start3A_436] : memref<2x10x128xi32, #tpu.memory_space<vmem>> -> memref<1x1x128xi32, #tpu.memory_space<vmem>>
      %dma_start3A_438 = tpu.memref_squeeze %dma_start3A_437 : memref<1x1x128xi32, #tpu.memory_space<vmem>> -> memref<128xi32, #tpu.memory_space<vmem>>
      %dma_start3A_439 = arith.constant 0 : i32
      %dma_start3A_440 = arith.constant 0 : i32
      %dma_start3A_441 = tpu.memref_slice %arg4[%dma_start3A_439, %dma_start3A_440] : memref<819200x32xf32, #tpu.memory_space<hbm>> -> memref<819200x32xf32, #tpu.memory_space<hbm>>
      %dma_start3A_442 = tpu.memref_slice %arg9[%rem3A_306] : memref<2x!tpu.dma_semaphore, #tpu.memory_space<semaphore_mem>> -> memref<1x!tpu.dma_semaphore, #tpu.memory_space<semaphore_mem>>
      %dma_start3A_443 = tpu.memref_squeeze %dma_start3A_442 : memref<1x!tpu.dma_semaphore, #tpu.memory_space<semaphore_mem>> -> memref<!tpu.dma_semaphore, #tpu.memory_space<semaphore_mem>>
      tpu.enqueue_indirect_dma source(%dma_start3A_435 : memref<128x32xf32, #tpu.memory_space<vmem>>) target(%dma_start3A_441 : memref<819200x32xf32, #tpu.memory_space<hbm>>) offsets(%dma_start3A_438 : memref<128xi32, #tpu.memory_space<vmem>>) semaphore(%dma_start3A_443 : memref<!tpu.dma_semaphore, #tpu.memory_space<semaphore_mem>>)
      %dma_start3A_444 = arith.constant 9 : i32
      %dma_start3A_445 = arith.constant 1152 : i32
      %dma_start3A_446 = arith.constant 0 : i32
      %dma_start3A_447 = tpu.memref_slice %arg6[%rem3A_306, %dma_start3A_445, %dma_start3A_446] : memref<2x1280x32xf32, #tpu.memory_space<vmem>> -> memref<1x128x32xf32, #tpu.memory_space<vmem>>
      %dma_start3A_448 = tpu.memref_squeeze %dma_start3A_447 : memref<1x128x32xf32, #tpu.memory_space<vmem>> -> memref<128x32xf32, #tpu.memory_space<vmem>>
      %dma_start3A_449 = arith.constant 0 : i32
      %dma_start3A_450 = tpu.memref_slice %arg7[%rem3A_306, %dma_start3A_444, %dma_start3A_449] : memref<2x10x128xi32, #tpu.memory_space<vmem>> -> memref<1x1x128xi32, #tpu.memory_space<vmem>>
      %dma_start3A_451 = tpu.memref_squeeze %dma_start3A_450 : memref<1x1x128xi32, #tpu.memory_space<vmem>> -> memref<128xi32, #tpu.memory_space<vmem>>
      %dma_start3A_452 = arith.constant 0 : i32
      %dma_start3A_453 = arith.constant 0 : i32
      %dma_start3A_454 = tpu.memref_slice %arg4[%dma_start3A_452, %dma_start3A_453] : memref<819200x32xf32, #tpu.memory_space<hbm>> -> memref<819200x32xf32, #tpu.memory_space<hbm>>
      %dma_start3A_455 = tpu.memref_slice %arg9[%rem3A_306] : memref<2x!tpu.dma_semaphore, #tpu.memory_space<semaphore_mem>> -> memref<1x!tpu.dma_semaphore, #tpu.memory_space<semaphore_mem>>
      %dma_start3A_456 = tpu.memref_squeeze %dma_start3A_455 : memref<1x!tpu.dma_semaphore, #tpu.memory_space<semaphore_mem>> -> memref<!tpu.dma_semaphore, #tpu.memory_space<semaphore_mem>>
      tpu.enqueue_indirect_dma source(%dma_start3A_448 : memref<128x32xf32, #tpu.memory_space<vmem>>) target(%dma_start3A_454 : memref<819200x32xf32, #tpu.memory_space<hbm>>) offsets(%dma_start3A_451 : memref<128xi32, #tpu.memory_space<vmem>>) semaphore(%dma_start3A_456 : memref<!tpu.dma_semaphore, #tpu.memory_space<semaphore_mem>>)
    }
    %scan3A_38 = arith.constant 20 : i32
    %rem3A = arith.constant 18 : i32
    %rem3A_39 = arith.constant 2 : i32
    %rem3A_40 = arith.remsi %rem3A, %rem3A_39 : i32
    %dma_wait3A_41 = arith.constant 0 : i32
    %dma_wait3A_42 = arith.constant 0 : i32
    %dma_wait3A_43 = arith.constant 0 : i32
    %dma_wait3A_44 = tpu.memref_slice %arg6[%rem3A_40, %dma_wait3A_42, %dma_wait3A_43] : memref<2x1280x32xf32, #tpu.memory_space<vmem>> -> memref<1x128x32xf32, #tpu.memory_space<vmem>>
    %dma_wait3A_45 = tpu.memref_squeeze %dma_wait3A_44 : memref<1x128x32xf32, #tpu.memory_space<vmem>> -> memref<128x32xf32, #tpu.memory_space<vmem>>
    %dma_wait3A_46 = arith.constant 0 : i32
    %dma_wait3A_47 = tpu.memref_slice %arg7[%rem3A_40, %dma_wait3A_41, %dma_wait3A_46] : memref<2x10x128xi32, #tpu.memory_space<vmem>> -> memref<1x1x128xi32, #tpu.memory_space<vmem>>
    %dma_wait3A_48 = tpu.memref_squeeze %dma_wait3A_47 : memref<1x1x128xi32, #tpu.memory_space<vmem>> -> memref<128xi32, #tpu.memory_space<vmem>>
    %dma_wait3A_49 = arith.constant 0 : i32
    %dma_wait3A_50 = arith.constant 0 : i32
    %dma_wait3A_51 = tpu.memref_slice %arg4[%dma_wait3A_49, %dma_wait3A_50] : memref<819200x32xf32, #tpu.memory_space<hbm>> -> memref<819200x32xf32, #tpu.memory_space<hbm>>
    %dma_wait3A_52 = tpu.memref_slice %arg9[%rem3A_40] : memref<2x!tpu.dma_semaphore, #tpu.memory_space<semaphore_mem>> -> memref<1x!tpu.dma_semaphore, #tpu.memory_space<semaphore_mem>>
    %dma_wait3A_53 = tpu.memref_squeeze %dma_wait3A_52 : memref<1x!tpu.dma_semaphore, #tpu.memory_space<semaphore_mem>> -> memref<!tpu.dma_semaphore, #tpu.memory_space<semaphore_mem>>
    tpu.wait_indirect_dma semaphore(%dma_wait3A_53 : memref<!tpu.dma_semaphore, #tpu.memory_space<semaphore_mem>>) src(%dma_wait3A_45 : memref<128x32xf32, #tpu.memory_space<vmem>>) dst(%dma_wait3A_51 : memref<819200x32xf32, #tpu.memory_space<hbm>>)
    %dma_wait3A_54 = arith.constant 1 : i32
    %dma_wait3A_55 = arith.constant 128 : i32
    %dma_wait3A_56 = arith.constant 0 : i32
    %dma_wait3A_57 = tpu.memref_slice %arg6[%rem3A_40, %dma_wait3A_55, %dma_wait3A_56] : memref<2x1280x32xf32, #tpu.memory_space<vmem>> -> memref<1x128x32xf32, #tpu.memory_space<vmem>>
    %dma_wait3A_58 = tpu.memref_squeeze %dma_wait3A_57 : memref<1x128x32xf32, #tpu.memory_space<vmem>> -> memref<128x32xf32, #tpu.memory_space<vmem>>
    %dma_wait3A_59 = arith.constant 0 : i32
    %dma_wait3A_60 = tpu.memref_slice %arg7[%rem3A_40, %dma_wait3A_54, %dma_wait3A_59] : memref<2x10x128xi32, #tpu.memory_space<vmem>> -> memref<1x1x128xi32, #tpu.memory_space<vmem>>
    %dma_wait3A_61 = tpu.memref_squeeze %dma_wait3A_60 : memref<1x1x128xi32, #tpu.memory_space<vmem>> -> memref<128xi32, #tpu.memory_space<vmem>>
    %dma_wait3A_62 = arith.constant 0 : i32
    %dma_wait3A_63 = arith.constant 0 : i32
    %dma_wait3A_64 = tpu.memref_slice %arg4[%dma_wait3A_62, %dma_wait3A_63] : memref<819200x32xf32, #tpu.memory_space<hbm>> -> memref<819200x32xf32, #tpu.memory_space<hbm>>
    %dma_wait3A_65 = tpu.memref_slice %arg9[%rem3A_40] : memref<2x!tpu.dma_semaphore, #tpu.memory_space<semaphore_mem>> -> memref<1x!tpu.dma_semaphore, #tpu.memory_space<semaphore_mem>>
    %dma_wait3A_66 = tpu.memref_squeeze %dma_wait3A_65 : memref<1x!tpu.dma_semaphore, #tpu.memory_space<semaphore_mem>> -> memref<!tpu.dma_semaphore, #tpu.memory_space<semaphore_mem>>
    tpu.wait_indirect_dma semaphore(%dma_wait3A_66 : memref<!tpu.dma_semaphore, #tpu.memory_space<semaphore_mem>>) src(%dma_wait3A_58 : memref<128x32xf32, #tpu.memory_space<vmem>>) dst(%dma_wait3A_64 : memref<819200x32xf32, #tpu.memory_space<hbm>>)
    %dma_wait3A_67 = arith.constant 2 : i32
    %dma_wait3A_68 = arith.constant 256 : i32
    %dma_wait3A_69 = arith.constant 0 : i32
    %dma_wait3A_70 = tpu.memref_slice %arg6[%rem3A_40, %dma_wait3A_68, %dma_wait3A_69] : memref<2x1280x32xf32, #tpu.memory_space<vmem>> -> memref<1x128x32xf32, #tpu.memory_space<vmem>>
    %dma_wait3A_71 = tpu.memref_squeeze %dma_wait3A_70 : memref<1x128x32xf32, #tpu.memory_space<vmem>> -> memref<128x32xf32, #tpu.memory_space<vmem>>
    %dma_wait3A_72 = arith.constant 0 : i32
    %dma_wait3A_73 = tpu.memref_slice %arg7[%rem3A_40, %dma_wait3A_67, %dma_wait3A_72] : memref<2x10x128xi32, #tpu.memory_space<vmem>> -> memref<1x1x128xi32, #tpu.memory_space<vmem>>
    %dma_wait3A_74 = tpu.memref_squeeze %dma_wait3A_73 : memref<1x1x128xi32, #tpu.memory_space<vmem>> -> memref<128xi32, #tpu.memory_space<vmem>>
    %dma_wait3A_75 = arith.constant 0 : i32
    %dma_wait3A_76 = arith.constant 0 : i32
    %dma_wait3A_77 = tpu.memref_slice %arg4[%dma_wait3A_75, %dma_wait3A_76] : memref<819200x32xf32, #tpu.memory_space<hbm>> -> memref<819200x32xf32, #tpu.memory_space<hbm>>
    %dma_wait3A_78 = tpu.memref_slice %arg9[%rem3A_40] : memref<2x!tpu.dma_semaphore, #tpu.memory_space<semaphore_mem>> -> memref<1x!tpu.dma_semaphore, #tpu.memory_space<semaphore_mem>>
    %dma_wait3A_79 = tpu.memref_squeeze %dma_wait3A_78 : memref<1x!tpu.dma_semaphore, #tpu.memory_space<semaphore_mem>> -> memref<!tpu.dma_semaphore, #tpu.memory_space<semaphore_mem>>
    tpu.wait_indirect_dma semaphore(%dma_wait3A_79 : memref<!tpu.dma_semaphore, #tpu.memory_space<semaphore_mem>>) src(%dma_wait3A_71 : memref<128x32xf32, #tpu.memory_space<vmem>>) dst(%dma_wait3A_77 : memref<819200x32xf32, #tpu.memory_space<hbm>>)
    %dma_wait3A_80 = arith.constant 3 : i32
    %dma_wait3A_81 = arith.constant 384 : i32
    %dma_wait3A_82 = arith.constant 0 : i32
    %dma_wait3A_83 = tpu.memref_slice %arg6[%rem3A_40, %dma_wait3A_81, %dma_wait3A_82] : memref<2x1280x32xf32, #tpu.memory_space<vmem>> -> memref<1x128x32xf32, #tpu.memory_space<vmem>>
    %dma_wait3A_84 = tpu.memref_squeeze %dma_wait3A_83 : memref<1x128x32xf32, #tpu.memory_space<vmem>> -> memref<128x32xf32, #tpu.memory_space<vmem>>
    %dma_wait3A_85 = arith.constant 0 : i32
    %dma_wait3A_86 = tpu.memref_slice %arg7[%rem3A_40, %dma_wait3A_80, %dma_wait3A_85] : memref<2x10x128xi32, #tpu.memory_space<vmem>> -> memref<1x1x128xi32, #tpu.memory_space<vmem>>
    %dma_wait3A_87 = tpu.memref_squeeze %dma_wait3A_86 : memref<1x1x128xi32, #tpu.memory_space<vmem>> -> memref<128xi32, #tpu.memory_space<vmem>>
    %dma_wait3A_88 = arith.constant 0 : i32
    %dma_wait3A_89 = arith.constant 0 : i32
    %dma_wait3A_90 = tpu.memref_slice %arg4[%dma_wait3A_88, %dma_wait3A_89] : memref<819200x32xf32, #tpu.memory_space<hbm>> -> memref<819200x32xf32, #tpu.memory_space<hbm>>
    %dma_wait3A_91 = tpu.memref_slice %arg9[%rem3A_40] : memref<2x!tpu.dma_semaphore, #tpu.memory_space<semaphore_mem>> -> memref<1x!tpu.dma_semaphore, #tpu.memory_space<semaphore_mem>>
    %dma_wait3A_92 = tpu.memref_squeeze %dma_wait3A_91 : memref<1x!tpu.dma_semaphore, #tpu.memory_space<semaphore_mem>> -> memref<!tpu.dma_semaphore, #tpu.memory_space<semaphore_mem>>
    tpu.wait_indirect_dma semaphore(%dma_wait3A_92 : memref<!tpu.dma_semaphore, #tpu.memory_space<semaphore_mem>>) src(%dma_wait3A_84 : memref<128x32xf32, #tpu.memory_space<vmem>>) dst(%dma_wait3A_90 : memref<819200x32xf32, #tpu.memory_space<hbm>>)
    %dma_wait3A_93 = arith.constant 4 : i32
    %dma_wait3A_94 = arith.constant 512 : i32
    %dma_wait3A_95 = arith.constant 0 : i32
    %dma_wait3A_96 = tpu.memref_slice %arg6[%rem3A_40, %dma_wait3A_94, %dma_wait3A_95] : memref<2x1280x32xf32, #tpu.memory_space<vmem>> -> memref<1x128x32xf32, #tpu.memory_space<vmem>>
    %dma_wait3A_97 = tpu.memref_squeeze %dma_wait3A_96 : memref<1x128x32xf32, #tpu.memory_space<vmem>> -> memref<128x32xf32, #tpu.memory_space<vmem>>
    %dma_wait3A_98 = arith.constant 0 : i32
    %dma_wait3A_99 = tpu.memref_slice %arg7[%rem3A_40, %dma_wait3A_93, %dma_wait3A_98] : memref<2x10x128xi32, #tpu.memory_space<vmem>> -> memref<1x1x128xi32, #tpu.memory_space<vmem>>
    %dma_wait3A_100 = tpu.memref_squeeze %dma_wait3A_99 : memref<1x1x128xi32, #tpu.memory_space<vmem>> -> memref<128xi32, #tpu.memory_space<vmem>>
    %dma_wait3A_101 = arith.constant 0 : i32
    %dma_wait3A_102 = arith.constant 0 : i32
    %dma_wait3A_103 = tpu.memref_slice %arg4[%dma_wait3A_101, %dma_wait3A_102] : memref<819200x32xf32, #tpu.memory_space<hbm>> -> memref<819200x32xf32, #tpu.memory_space<hbm>>
    %dma_wait3A_104 = tpu.memref_slice %arg9[%rem3A_40] : memref<2x!tpu.dma_semaphore, #tpu.memory_space<semaphore_mem>> -> memref<1x!tpu.dma_semaphore, #tpu.memory_space<semaphore_mem>>
    %dma_wait3A_105 = tpu.memref_squeeze %dma_wait3A_104 : memref<1x!tpu.dma_semaphore, #tpu.memory_space<semaphore_mem>> -> memref<!tpu.dma_semaphore, #tpu.memory_space<semaphore_mem>>
    tpu.wait_indirect_dma semaphore(%dma_wait3A_105 : memref<!tpu.dma_semaphore, #tpu.memory_space<semaphore_mem>>) src(%dma_wait3A_97 : memref<128x32xf32, #tpu.memory_space<vmem>>) dst(%dma_wait3A_103 : memref<819200x32xf32, #tpu.memory_space<hbm>>)
    %dma_wait3A_106 = arith.constant 5 : i32
    %dma_wait3A_107 = arith.constant 640 : i32
    %dma_wait3A_108 = arith.constant 0 : i32
    %dma_wait3A_109 = tpu.memref_slice %arg6[%rem3A_40, %dma_wait3A_107, %dma_wait3A_108] : memref<2x1280x32xf32, #tpu.memory_space<vmem>> -> memref<1x128x32xf32, #tpu.memory_space<vmem>>
    %dma_wait3A_110 = tpu.memref_squeeze %dma_wait3A_109 : memref<1x128x32xf32, #tpu.memory_space<vmem>> -> memref<128x32xf32, #tpu.memory_space<vmem>>
    %dma_wait3A_111 = arith.constant 0 : i32
    %dma_wait3A_112 = tpu.memref_slice %arg7[%rem3A_40, %dma_wait3A_106, %dma_wait3A_111] : memref<2x10x128xi32, #tpu.memory_space<vmem>> -> memref<1x1x128xi32, #tpu.memory_space<vmem>>
    %dma_wait3A_113 = tpu.memref_squeeze %dma_wait3A_112 : memref<1x1x128xi32, #tpu.memory_space<vmem>> -> memref<128xi32, #tpu.memory_space<vmem>>
    %dma_wait3A_114 = arith.constant 0 : i32
    %dma_wait3A_115 = arith.constant 0 : i32
    %dma_wait3A_116 = tpu.memref_slice %arg4[%dma_wait3A_114, %dma_wait3A_115] : memref<819200x32xf32, #tpu.memory_space<hbm>> -> memref<819200x32xf32, #tpu.memory_space<hbm>>
    %dma_wait3A_117 = tpu.memref_slice %arg9[%rem3A_40] : memref<2x!tpu.dma_semaphore, #tpu.memory_space<semaphore_mem>> -> memref<1x!tpu.dma_semaphore, #tpu.memory_space<semaphore_mem>>
    %dma_wait3A_118 = tpu.memref_squeeze %dma_wait3A_117 : memref<1x!tpu.dma_semaphore, #tpu.memory_space<semaphore_mem>> -> memref<!tpu.dma_semaphore, #tpu.memory_space<semaphore_mem>>
    tpu.wait_indirect_dma semaphore(%dma_wait3A_118 : memref<!tpu.dma_semaphore, #tpu.memory_space<semaphore_mem>>) src(%dma_wait3A_110 : memref<128x32xf32, #tpu.memory_space<vmem>>) dst(%dma_wait3A_116 : memref<819200x32xf32, #tpu.memory_space<hbm>>)
    %dma_wait3A_119 = arith.constant 6 : i32
    %dma_wait3A_120 = arith.constant 768 : i32
    %dma_wait3A_121 = arith.constant 0 : i32
    %dma_wait3A_122 = tpu.memref_slice %arg6[%rem3A_40, %dma_wait3A_120, %dma_wait3A_121] : memref<2x1280x32xf32, #tpu.memory_space<vmem>> -> memref<1x128x32xf32, #tpu.memory_space<vmem>>
    %dma_wait3A_123 = tpu.memref_squeeze %dma_wait3A_122 : memref<1x128x32xf32, #tpu.memory_space<vmem>> -> memref<128x32xf32, #tpu.memory_space<vmem>>
    %dma_wait3A_124 = arith.constant 0 : i32
    %dma_wait3A_125 = tpu.memref_slice %arg7[%rem3A_40, %dma_wait3A_119, %dma_wait3A_124] : memref<2x10x128xi32, #tpu.memory_space<vmem>> -> memref<1x1x128xi32, #tpu.memory_space<vmem>>
    %dma_wait3A_126 = tpu.memref_squeeze %dma_wait3A_125 : memref<1x1x128xi32, #tpu.memory_space<vmem>> -> memref<128xi32, #tpu.memory_space<vmem>>
    %dma_wait3A_127 = arith.constant 0 : i32
    %dma_wait3A_128 = arith.constant 0 : i32
    %dma_wait3A_129 = tpu.memref_slice %arg4[%dma_wait3A_127, %dma_wait3A_128] : memref<819200x32xf32, #tpu.memory_space<hbm>> -> memref<819200x32xf32, #tpu.memory_space<hbm>>
    %dma_wait3A_130 = tpu.memref_slice %arg9[%rem3A_40] : memref<2x!tpu.dma_semaphore, #tpu.memory_space<semaphore_mem>> -> memref<1x!tpu.dma_semaphore, #tpu.memory_space<semaphore_mem>>
    %dma_wait3A_131 = tpu.memref_squeeze %dma_wait3A_130 : memref<1x!tpu.dma_semaphore, #tpu.memory_space<semaphore_mem>> -> memref<!tpu.dma_semaphore, #tpu.memory_space<semaphore_mem>>
    tpu.wait_indirect_dma semaphore(%dma_wait3A_131 : memref<!tpu.dma_semaphore, #tpu.memory_space<semaphore_mem>>) src(%dma_wait3A_123 : memref<128x32xf32, #tpu.memory_space<vmem>>) dst(%dma_wait3A_129 : memref<819200x32xf32, #tpu.memory_space<hbm>>)
    %dma_wait3A_132 = arith.constant 7 : i32
    %dma_wait3A_133 = arith.constant 896 : i32
    %dma_wait3A_134 = arith.constant 0 : i32
    %dma_wait3A_135 = tpu.memref_slice %arg6[%rem3A_40, %dma_wait3A_133, %dma_wait3A_134] : memref<2x1280x32xf32, #tpu.memory_space<vmem>> -> memref<1x128x32xf32, #tpu.memory_space<vmem>>
    %dma_wait3A_136 = tpu.memref_squeeze %dma_wait3A_135 : memref<1x128x32xf32, #tpu.memory_space<vmem>> -> memref<128x32xf32, #tpu.memory_space<vmem>>
    %dma_wait3A_137 = arith.constant 0 : i32
    %dma_wait3A_138 = tpu.memref_slice %arg7[%rem3A_40, %dma_wait3A_132, %dma_wait3A_137] : memref<2x10x128xi32, #tpu.memory_space<vmem>> -> memref<1x1x128xi32, #tpu.memory_space<vmem>>
    %dma_wait3A_139 = tpu.memref_squeeze %dma_wait3A_138 : memref<1x1x128xi32, #tpu.memory_space<vmem>> -> memref<128xi32, #tpu.memory_space<vmem>>
    %dma_wait3A_140 = arith.constant 0 : i32
    %dma_wait3A_141 = arith.constant 0 : i32
    %dma_wait3A_142 = tpu.memref_slice %arg4[%dma_wait3A_140, %dma_wait3A_141] : memref<819200x32xf32, #tpu.memory_space<hbm>> -> memref<819200x32xf32, #tpu.memory_space<hbm>>
    %dma_wait3A_143 = tpu.memref_slice %arg9[%rem3A_40] : memref<2x!tpu.dma_semaphore, #tpu.memory_space<semaphore_mem>> -> memref<1x!tpu.dma_semaphore, #tpu.memory_space<semaphore_mem>>
    %dma_wait3A_144 = tpu.memref_squeeze %dma_wait3A_143 : memref<1x!tpu.dma_semaphore, #tpu.memory_space<semaphore_mem>> -> memref<!tpu.dma_semaphore, #tpu.memory_space<semaphore_mem>>
    tpu.wait_indirect_dma semaphore(%dma_wait3A_144 : memref<!tpu.dma_semaphore, #tpu.memory_space<semaphore_mem>>) src(%dma_wait3A_136 : memref<128x32xf32, #tpu.memory_space<vmem>>) dst(%dma_wait3A_142 : memref<819200x32xf32, #tpu.memory_space<hbm>>)
    %dma_wait3A_145 = arith.constant 8 : i32
    %dma_wait3A_146 = arith.constant 1024 : i32
    %dma_wait3A_147 = arith.constant 0 : i32
    %dma_wait3A_148 = tpu.memref_slice %arg6[%rem3A_40, %dma_wait3A_146, %dma_wait3A_147] : memref<2x1280x32xf32, #tpu.memory_space<vmem>> -> memref<1x128x32xf32, #tpu.memory_space<vmem>>
    %dma_wait3A_149 = tpu.memref_squeeze %dma_wait3A_148 : memref<1x128x32xf32, #tpu.memory_space<vmem>> -> memref<128x32xf32, #tpu.memory_space<vmem>>
    %dma_wait3A_150 = arith.constant 0 : i32
    %dma_wait3A_151 = tpu.memref_slice %arg7[%rem3A_40, %dma_wait3A_145, %dma_wait3A_150] : memref<2x10x128xi32, #tpu.memory_space<vmem>> -> memref<1x1x128xi32, #tpu.memory_space<vmem>>
    %dma_wait3A_152 = tpu.memref_squeeze %dma_wait3A_151 : memref<1x1x128xi32, #tpu.memory_space<vmem>> -> memref<128xi32, #tpu.memory_space<vmem>>
    %dma_wait3A_153 = arith.constant 0 : i32
    %dma_wait3A_154 = arith.constant 0 : i32
    %dma_wait3A_155 = tpu.memref_slice %arg4[%dma_wait3A_153, %dma_wait3A_154] : memref<819200x32xf32, #tpu.memory_space<hbm>> -> memref<819200x32xf32, #tpu.memory_space<hbm>>
    %dma_wait3A_156 = tpu.memref_slice %arg9[%rem3A_40] : memref<2x!tpu.dma_semaphore, #tpu.memory_space<semaphore_mem>> -> memref<1x!tpu.dma_semaphore, #tpu.memory_space<semaphore_mem>>
    %dma_wait3A_157 = tpu.memref_squeeze %dma_wait3A_156 : memref<1x!tpu.dma_semaphore, #tpu.memory_space<semaphore_mem>> -> memref<!tpu.dma_semaphore, #tpu.memory_space<semaphore_mem>>
    tpu.wait_indirect_dma semaphore(%dma_wait3A_157 : memref<!tpu.dma_semaphore, #tpu.memory_space<semaphore_mem>>) src(%dma_wait3A_149 : memref<128x32xf32, #tpu.memory_space<vmem>>) dst(%dma_wait3A_155 : memref<819200x32xf32, #tpu.memory_space<hbm>>)
    %dma_wait3A_158 = arith.constant 9 : i32
    %dma_wait3A_159 = arith.constant 1152 : i32
    %dma_wait3A_160 = arith.constant 0 : i32
    %dma_wait3A_161 = tpu.memref_slice %arg6[%rem3A_40, %dma_wait3A_159, %dma_wait3A_160] : memref<2x1280x32xf32, #tpu.memory_space<vmem>> -> memref<1x128x32xf32, #tpu.memory_space<vmem>>
    %dma_wait3A_162 = tpu.memref_squeeze %dma_wait3A_161 : memref<1x128x32xf32, #tpu.memory_space<vmem>> -> memref<128x32xf32, #tpu.memory_space<vmem>>
    %dma_wait3A_163 = arith.constant 0 : i32
    %dma_wait3A_164 = tpu.memref_slice %arg7[%rem3A_40, %dma_wait3A_158, %dma_wait3A_163] : memref<2x10x128xi32, #tpu.memory_space<vmem>> -> memref<1x1x128xi32, #tpu.memory_space<vmem>>
    %dma_wait3A_165 = tpu.memref_squeeze %dma_wait3A_164 : memref<1x1x128xi32, #tpu.memory_space<vmem>> -> memref<128xi32, #tpu.memory_space<vmem>>
    %dma_wait3A_166 = arith.constant 0 : i32
    %dma_wait3A_167 = arith.constant 0 : i32
    %dma_wait3A_168 = tpu.memref_slice %arg4[%dma_wait3A_166, %dma_wait3A_167] : memref<819200x32xf32, #tpu.memory_space<hbm>> -> memref<819200x32xf32, #tpu.memory_space<hbm>>
    %dma_wait3A_169 = tpu.memref_slice %arg9[%rem3A_40] : memref<2x!tpu.dma_semaphore, #tpu.memory_space<semaphore_mem>> -> memref<1x!tpu.dma_semaphore, #tpu.memory_space<semaphore_mem>>
    %dma_wait3A_170 = tpu.memref_squeeze %dma_wait3A_169 : memref<1x!tpu.dma_semaphore, #tpu.memory_space<semaphore_mem>> -> memref<!tpu.dma_semaphore, #tpu.memory_space<semaphore_mem>>
    tpu.wait_indirect_dma semaphore(%dma_wait3A_170 : memref<!tpu.dma_semaphore, #tpu.memory_space<semaphore_mem>>) src(%dma_wait3A_162 : memref<128x32xf32, #tpu.memory_space<vmem>>) dst(%dma_wait3A_168 : memref<819200x32xf32, #tpu.memory_space<hbm>>)
    %rem3A_171 = arith.constant 19 : i32
    %rem3A_172 = arith.constant 2 : i32
    %rem3A_173 = arith.remsi %rem3A_171, %rem3A_172 : i32
    %dma_wait3A_174 = arith.constant 0 : i32
    %dma_wait3A_175 = arith.constant 0 : i32
    %dma_wait3A_176 = arith.constant 0 : i32
    %dma_wait3A_177 = tpu.memref_slice %arg6[%rem3A_173, %dma_wait3A_175, %dma_wait3A_176] : memref<2x1280x32xf32, #tpu.memory_space<vmem>> -> memref<1x128x32xf32, #tpu.memory_space<vmem>>
    %dma_wait3A_178 = tpu.memref_squeeze %dma_wait3A_177 : memref<1x128x32xf32, #tpu.memory_space<vmem>> -> memref<128x32xf32, #tpu.memory_space<vmem>>
    %dma_wait3A_179 = arith.constant 0 : i32
    %dma_wait3A_180 = tpu.memref_slice %arg7[%rem3A_173, %dma_wait3A_174, %dma_wait3A_179] : memref<2x10x128xi32, #tpu.memory_space<vmem>> -> memref<1x1x128xi32, #tpu.memory_space<vmem>>
    %dma_wait3A_181 = tpu.memref_squeeze %dma_wait3A_180 : memref<1x1x128xi32, #tpu.memory_space<vmem>> -> memref<128xi32, #tpu.memory_space<vmem>>
    %dma_wait3A_182 = arith.constant 0 : i32
    %dma_wait3A_183 = arith.constant 0 : i32
    %dma_wait3A_184 = tpu.memref_slice %arg4[%dma_wait3A_182, %dma_wait3A_183] : memref<819200x32xf32, #tpu.memory_space<hbm>> -> memref<819200x32xf32, #tpu.memory_space<hbm>>
    %dma_wait3A_185 = tpu.memref_slice %arg9[%rem3A_173] : memref<2x!tpu.dma_semaphore, #tpu.memory_space<semaphore_mem>> -> memref<1x!tpu.dma_semaphore, #tpu.memory_space<semaphore_mem>>
    %dma_wait3A_186 = tpu.memref_squeeze %dma_wait3A_185 : memref<1x!tpu.dma_semaphore, #tpu.memory_space<semaphore_mem>> -> memref<!tpu.dma_semaphore, #tpu.memory_space<semaphore_mem>>
    tpu.wait_indirect_dma semaphore(%dma_wait3A_186 : memref<!tpu.dma_semaphore, #tpu.memory_space<semaphore_mem>>) src(%dma_wait3A_178 : memref<128x32xf32, #tpu.memory_space<vmem>>) dst(%dma_wait3A_184 : memref<819200x32xf32, #tpu.memory_space<hbm>>)
    %dma_wait3A_187 = arith.constant 1 : i32
    %dma_wait3A_188 = arith.constant 128 : i32
    %dma_wait3A_189 = arith.constant 0 : i32
    %dma_wait3A_190 = tpu.memref_slice %arg6[%rem3A_173, %dma_wait3A_188, %dma_wait3A_189] : memref<2x1280x32xf32, #tpu.memory_space<vmem>> -> memref<1x128x32xf32, #tpu.memory_space<vmem>>
    %dma_wait3A_191 = tpu.memref_squeeze %dma_wait3A_190 : memref<1x128x32xf32, #tpu.memory_space<vmem>> -> memref<128x32xf32, #tpu.memory_space<vmem>>
    %dma_wait3A_192 = arith.constant 0 : i32
    %dma_wait3A_193 = tpu.memref_slice %arg7[%rem3A_173, %dma_wait3A_187, %dma_wait3A_192] : memref<2x10x128xi32, #tpu.memory_space<vmem>> -> memref<1x1x128xi32, #tpu.memory_space<vmem>>
    %dma_wait3A_194 = tpu.memref_squeeze %dma_wait3A_193 : memref<1x1x128xi32, #tpu.memory_space<vmem>> -> memref<128xi32, #tpu.memory_space<vmem>>
    %dma_wait3A_195 = arith.constant 0 : i32
    %dma_wait3A_196 = arith.constant 0 : i32
    %dma_wait3A_197 = tpu.memref_slice %arg4[%dma_wait3A_195, %dma_wait3A_196] : memref<819200x32xf32, #tpu.memory_space<hbm>> -> memref<819200x32xf32, #tpu.memory_space<hbm>>
    %dma_wait3A_198 = tpu.memref_slice %arg9[%rem3A_173] : memref<2x!tpu.dma_semaphore, #tpu.memory_space<semaphore_mem>> -> memref<1x!tpu.dma_semaphore, #tpu.memory_space<semaphore_mem>>
    %dma_wait3A_199 = tpu.memref_squeeze %dma_wait3A_198 : memref<1x!tpu.dma_semaphore, #tpu.memory_space<semaphore_mem>> -> memref<!tpu.dma_semaphore, #tpu.memory_space<semaphore_mem>>
    tpu.wait_indirect_dma semaphore(%dma_wait3A_199 : memref<!tpu.dma_semaphore, #tpu.memory_space<semaphore_mem>>) src(%dma_wait3A_191 : memref<128x32xf32, #tpu.memory_space<vmem>>) dst(%dma_wait3A_197 : memref<819200x32xf32, #tpu.memory_space<hbm>>)
    %dma_wait3A_200 = arith.constant 2 : i32
    %dma_wait3A_201 = arith.constant 256 : i32
    %dma_wait3A_202 = arith.constant 0 : i32
    %dma_wait3A_203 = tpu.memref_slice %arg6[%rem3A_173, %dma_wait3A_201, %dma_wait3A_202] : memref<2x1280x32xf32, #tpu.memory_space<vmem>> -> memref<1x128x32xf32, #tpu.memory_space<vmem>>
    %dma_wait3A_204 = tpu.memref_squeeze %dma_wait3A_203 : memref<1x128x32xf32, #tpu.memory_space<vmem>> -> memref<128x32xf32, #tpu.memory_space<vmem>>
    %dma_wait3A_205 = arith.constant 0 : i32
    %dma_wait3A_206 = tpu.memref_slice %arg7[%rem3A_173, %dma_wait3A_200, %dma_wait3A_205] : memref<2x10x128xi32, #tpu.memory_space<vmem>> -> memref<1x1x128xi32, #tpu.memory_space<vmem>>
    %dma_wait3A_207 = tpu.memref_squeeze %dma_wait3A_206 : memref<1x1x128xi32, #tpu.memory_space<vmem>> -> memref<128xi32, #tpu.memory_space<vmem>>
    %dma_wait3A_208 = arith.constant 0 : i32
    %dma_wait3A_209 = arith.constant 0 : i32
    %dma_wait3A_210 = tpu.memref_slice %arg4[%dma_wait3A_208, %dma_wait3A_209] : memref<819200x32xf32, #tpu.memory_space<hbm>> -> memref<819200x32xf32, #tpu.memory_space<hbm>>
    %dma_wait3A_211 = tpu.memref_slice %arg9[%rem3A_173] : memref<2x!tpu.dma_semaphore, #tpu.memory_space<semaphore_mem>> -> memref<1x!tpu.dma_semaphore, #tpu.memory_space<semaphore_mem>>
    %dma_wait3A_212 = tpu.memref_squeeze %dma_wait3A_211 : memref<1x!tpu.dma_semaphore, #tpu.memory_space<semaphore_mem>> -> memref<!tpu.dma_semaphore, #tpu.memory_space<semaphore_mem>>
    tpu.wait_indirect_dma semaphore(%dma_wait3A_212 : memref<!tpu.dma_semaphore, #tpu.memory_space<semaphore_mem>>) src(%dma_wait3A_204 : memref<128x32xf32, #tpu.memory_space<vmem>>) dst(%dma_wait3A_210 : memref<819200x32xf32, #tpu.memory_space<hbm>>)
    %dma_wait3A_213 = arith.constant 3 : i32
    %dma_wait3A_214 = arith.constant 384 : i32
    %dma_wait3A_215 = arith.constant 0 : i32
    %dma_wait3A_216 = tpu.memref_slice %arg6[%rem3A_173, %dma_wait3A_214, %dma_wait3A_215] : memref<2x1280x32xf32, #tpu.memory_space<vmem>> -> memref<1x128x32xf32, #tpu.memory_space<vmem>>
    %dma_wait3A_217 = tpu.memref_squeeze %dma_wait3A_216 : memref<1x128x32xf32, #tpu.memory_space<vmem>> -> memref<128x32xf32, #tpu.memory_space<vmem>>
    %dma_wait3A_218 = arith.constant 0 : i32
    %dma_wait3A_219 = tpu.memref_slice %arg7[%rem3A_173, %dma_wait3A_213, %dma_wait3A_218] : memref<2x10x128xi32, #tpu.memory_space<vmem>> -> memref<1x1x128xi32, #tpu.memory_space<vmem>>
    %dma_wait3A_220 = tpu.memref_squeeze %dma_wait3A_219 : memref<1x1x128xi32, #tpu.memory_space<vmem>> -> memref<128xi32, #tpu.memory_space<vmem>>
    %dma_wait3A_221 = arith.constant 0 : i32
    %dma_wait3A_222 = arith.constant 0 : i32
    %dma_wait3A_223 = tpu.memref_slice %arg4[%dma_wait3A_221, %dma_wait3A_222] : memref<819200x32xf32, #tpu.memory_space<hbm>> -> memref<819200x32xf32, #tpu.memory_space<hbm>>
    %dma_wait3A_224 = tpu.memref_slice %arg9[%rem3A_173] : memref<2x!tpu.dma_semaphore, #tpu.memory_space<semaphore_mem>> -> memref<1x!tpu.dma_semaphore, #tpu.memory_space<semaphore_mem>>
    %dma_wait3A_225 = tpu.memref_squeeze %dma_wait3A_224 : memref<1x!tpu.dma_semaphore, #tpu.memory_space<semaphore_mem>> -> memref<!tpu.dma_semaphore, #tpu.memory_space<semaphore_mem>>
    tpu.wait_indirect_dma semaphore(%dma_wait3A_225 : memref<!tpu.dma_semaphore, #tpu.memory_space<semaphore_mem>>) src(%dma_wait3A_217 : memref<128x32xf32, #tpu.memory_space<vmem>>) dst(%dma_wait3A_223 : memref<819200x32xf32, #tpu.memory_space<hbm>>)
    %dma_wait3A_226 = arith.constant 4 : i32
    %dma_wait3A_227 = arith.constant 512 : i32
    %dma_wait3A_228 = arith.constant 0 : i32
    %dma_wait3A_229 = tpu.memref_slice %arg6[%rem3A_173, %dma_wait3A_227, %dma_wait3A_228] : memref<2x1280x32xf32, #tpu.memory_space<vmem>> -> memref<1x128x32xf32, #tpu.memory_space<vmem>>
    %dma_wait3A_230 = tpu.memref_squeeze %dma_wait3A_229 : memref<1x128x32xf32, #tpu.memory_space<vmem>> -> memref<128x32xf32, #tpu.memory_space<vmem>>
    %dma_wait3A_231 = arith.constant 0 : i32
    %dma_wait3A_232 = tpu.memref_slice %arg7[%rem3A_173, %dma_wait3A_226, %dma_wait3A_231] : memref<2x10x128xi32, #tpu.memory_space<vmem>> -> memref<1x1x128xi32, #tpu.memory_space<vmem>>
    %dma_wait3A_233 = tpu.memref_squeeze %dma_wait3A_232 : memref<1x1x128xi32, #tpu.memory_space<vmem>> -> memref<128xi32, #tpu.memory_space<vmem>>
    %dma_wait3A_234 = arith.constant 0 : i32
    %dma_wait3A_235 = arith.constant 0 : i32
    %dma_wait3A_236 = tpu.memref_slice %arg4[%dma_wait3A_234, %dma_wait3A_235] : memref<819200x32xf32, #tpu.memory_space<hbm>> -> memref<819200x32xf32, #tpu.memory_space<hbm>>
    %dma_wait3A_237 = tpu.memref_slice %arg9[%rem3A_173] : memref<2x!tpu.dma_semaphore, #tpu.memory_space<semaphore_mem>> -> memref<1x!tpu.dma_semaphore, #tpu.memory_space<semaphore_mem>>
    %dma_wait3A_238 = tpu.memref_squeeze %dma_wait3A_237 : memref<1x!tpu.dma_semaphore, #tpu.memory_space<semaphore_mem>> -> memref<!tpu.dma_semaphore, #tpu.memory_space<semaphore_mem>>
    tpu.wait_indirect_dma semaphore(%dma_wait3A_238 : memref<!tpu.dma_semaphore, #tpu.memory_space<semaphore_mem>>) src(%dma_wait3A_230 : memref<128x32xf32, #tpu.memory_space<vmem>>) dst(%dma_wait3A_236 : memref<819200x32xf32, #tpu.memory_space<hbm>>)
    %dma_wait3A_239 = arith.constant 5 : i32
    %dma_wait3A_240 = arith.constant 640 : i32
    %dma_wait3A_241 = arith.constant 0 : i32
    %dma_wait3A_242 = tpu.memref_slice %arg6[%rem3A_173, %dma_wait3A_240, %dma_wait3A_241] : memref<2x1280x32xf32, #tpu.memory_space<vmem>> -> memref<1x128x32xf32, #tpu.memory_space<vmem>>
    %dma_wait3A_243 = tpu.memref_squeeze %dma_wait3A_242 : memref<1x128x32xf32, #tpu.memory_space<vmem>> -> memref<128x32xf32, #tpu.memory_space<vmem>>
    %dma_wait3A_244 = arith.constant 0 : i32
    %dma_wait3A_245 = tpu.memref_slice %arg7[%rem3A_173, %dma_wait3A_239, %dma_wait3A_244] : memref<2x10x128xi32, #tpu.memory_space<vmem>> -> memref<1x1x128xi32, #tpu.memory_space<vmem>>
    %dma_wait3A_246 = tpu.memref_squeeze %dma_wait3A_245 : memref<1x1x128xi32, #tpu.memory_space<vmem>> -> memref<128xi32, #tpu.memory_space<vmem>>
    %dma_wait3A_247 = arith.constant 0 : i32
    %dma_wait3A_248 = arith.constant 0 : i32
    %dma_wait3A_249 = tpu.memref_slice %arg4[%dma_wait3A_247, %dma_wait3A_248] : memref<819200x32xf32, #tpu.memory_space<hbm>> -> memref<819200x32xf32, #tpu.memory_space<hbm>>
    %dma_wait3A_250 = tpu.memref_slice %arg9[%rem3A_173] : memref<2x!tpu.dma_semaphore, #tpu.memory_space<semaphore_mem>> -> memref<1x!tpu.dma_semaphore, #tpu.memory_space<semaphore_mem>>
    %dma_wait3A_251 = tpu.memref_squeeze %dma_wait3A_250 : memref<1x!tpu.dma_semaphore, #tpu.memory_space<semaphore_mem>> -> memref<!tpu.dma_semaphore, #tpu.memory_space<semaphore_mem>>
    tpu.wait_indirect_dma semaphore(%dma_wait3A_251 : memref<!tpu.dma_semaphore, #tpu.memory_space<semaphore_mem>>) src(%dma_wait3A_243 : memref<128x32xf32, #tpu.memory_space<vmem>>) dst(%dma_wait3A_249 : memref<819200x32xf32, #tpu.memory_space<hbm>>)
    %dma_wait3A_252 = arith.constant 6 : i32
    %dma_wait3A_253 = arith.constant 768 : i32
    %dma_wait3A_254 = arith.constant 0 : i32
    %dma_wait3A_255 = tpu.memref_slice %arg6[%rem3A_173, %dma_wait3A_253, %dma_wait3A_254] : memref<2x1280x32xf32, #tpu.memory_space<vmem>> -> memref<1x128x32xf32, #tpu.memory_space<vmem>>
    %dma_wait3A_256 = tpu.memref_squeeze %dma_wait3A_255 : memref<1x128x32xf32, #tpu.memory_space<vmem>> -> memref<128x32xf32, #tpu.memory_space<vmem>>
    %dma_wait3A_257 = arith.constant 0 : i32
    %dma_wait3A_258 = tpu.memref_slice %arg7[%rem3A_173, %dma_wait3A_252, %dma_wait3A_257] : memref<2x10x128xi32, #tpu.memory_space<vmem>> -> memref<1x1x128xi32, #tpu.memory_space<vmem>>
    %dma_wait3A_259 = tpu.memref_squeeze %dma_wait3A_258 : memref<1x1x128xi32, #tpu.memory_space<vmem>> -> memref<128xi32, #tpu.memory_space<vmem>>
    %dma_wait3A_260 = arith.constant 0 : i32
    %dma_wait3A_261 = arith.constant 0 : i32
    %dma_wait3A_262 = tpu.memref_slice %arg4[%dma_wait3A_260, %dma_wait3A_261] : memref<819200x32xf32, #tpu.memory_space<hbm>> -> memref<819200x32xf32, #tpu.memory_space<hbm>>
    %dma_wait3A_263 = tpu.memref_slice %arg9[%rem3A_173] : memref<2x!tpu.dma_semaphore, #tpu.memory_space<semaphore_mem>> -> memref<1x!tpu.dma_semaphore, #tpu.memory_space<semaphore_mem>>
    %dma_wait3A_264 = tpu.memref_squeeze %dma_wait3A_263 : memref<1x!tpu.dma_semaphore, #tpu.memory_space<semaphore_mem>> -> memref<!tpu.dma_semaphore, #tpu.memory_space<semaphore_mem>>
    tpu.wait_indirect_dma semaphore(%dma_wait3A_264 : memref<!tpu.dma_semaphore, #tpu.memory_space<semaphore_mem>>) src(%dma_wait3A_256 : memref<128x32xf32, #tpu.memory_space<vmem>>) dst(%dma_wait3A_262 : memref<819200x32xf32, #tpu.memory_space<hbm>>)
    %dma_wait3A_265 = arith.constant 7 : i32
    %dma_wait3A_266 = arith.constant 896 : i32
    %dma_wait3A_267 = arith.constant 0 : i32
    %dma_wait3A_268 = tpu.memref_slice %arg6[%rem3A_173, %dma_wait3A_266, %dma_wait3A_267] : memref<2x1280x32xf32, #tpu.memory_space<vmem>> -> memref<1x128x32xf32, #tpu.memory_space<vmem>>
    %dma_wait3A_269 = tpu.memref_squeeze %dma_wait3A_268 : memref<1x128x32xf32, #tpu.memory_space<vmem>> -> memref<128x32xf32, #tpu.memory_space<vmem>>
    %dma_wait3A_270 = arith.constant 0 : i32
    %dma_wait3A_271 = tpu.memref_slice %arg7[%rem3A_173, %dma_wait3A_265, %dma_wait3A_270] : memref<2x10x128xi32, #tpu.memory_space<vmem>> -> memref<1x1x128xi32, #tpu.memory_space<vmem>>
    %dma_wait3A_272 = tpu.memref_squeeze %dma_wait3A_271 : memref<1x1x128xi32, #tpu.memory_space<vmem>> -> memref<128xi32, #tpu.memory_space<vmem>>
    %dma_wait3A_273 = arith.constant 0 : i32
    %dma_wait3A_274 = arith.constant 0 : i32
    %dma_wait3A_275 = tpu.memref_slice %arg4[%dma_wait3A_273, %dma_wait3A_274] : memref<819200x32xf32, #tpu.memory_space<hbm>> -> memref<819200x32xf32, #tpu.memory_space<hbm>>
    %dma_wait3A_276 = tpu.memref_slice %arg9[%rem3A_173] : memref<2x!tpu.dma_semaphore, #tpu.memory_space<semaphore_mem>> -> memref<1x!tpu.dma_semaphore, #tpu.memory_space<semaphore_mem>>
    %dma_wait3A_277 = tpu.memref_squeeze %dma_wait3A_276 : memref<1x!tpu.dma_semaphore, #tpu.memory_space<semaphore_mem>> -> memref<!tpu.dma_semaphore, #tpu.memory_space<semaphore_mem>>
    tpu.wait_indirect_dma semaphore(%dma_wait3A_277 : memref<!tpu.dma_semaphore, #tpu.memory_space<semaphore_mem>>) src(%dma_wait3A_269 : memref<128x32xf32, #tpu.memory_space<vmem>>) dst(%dma_wait3A_275 : memref<819200x32xf32, #tpu.memory_space<hbm>>)
    %dma_wait3A_278 = arith.constant 8 : i32
    %dma_wait3A_279 = arith.constant 1024 : i32
    %dma_wait3A_280 = arith.constant 0 : i32
    %dma_wait3A_281 = tpu.memref_slice %arg6[%rem3A_173, %dma_wait3A_279, %dma_wait3A_280] : memref<2x1280x32xf32, #tpu.memory_space<vmem>> -> memref<1x128x32xf32, #tpu.memory_space<vmem>>
    %dma_wait3A_282 = tpu.memref_squeeze %dma_wait3A_281 : memref<1x128x32xf32, #tpu.memory_space<vmem>> -> memref<128x32xf32, #tpu.memory_space<vmem>>
    %dma_wait3A_283 = arith.constant 0 : i32
    %dma_wait3A_284 = tpu.memref_slice %arg7[%rem3A_173, %dma_wait3A_278, %dma_wait3A_283] : memref<2x10x128xi32, #tpu.memory_space<vmem>> -> memref<1x1x128xi32, #tpu.memory_space<vmem>>
    %dma_wait3A_285 = tpu.memref_squeeze %dma_wait3A_284 : memref<1x1x128xi32, #tpu.memory_space<vmem>> -> memref<128xi32, #tpu.memory_space<vmem>>
    %dma_wait3A_286 = arith.constant 0 : i32
    %dma_wait3A_287 = arith.constant 0 : i32
    %dma_wait3A_288 = tpu.memref_slice %arg4[%dma_wait3A_286, %dma_wait3A_287] : memref<819200x32xf32, #tpu.memory_space<hbm>> -> memref<819200x32xf32, #tpu.memory_space<hbm>>
    %dma_wait3A_289 = tpu.memref_slice %arg9[%rem3A_173] : memref<2x!tpu.dma_semaphore, #tpu.memory_space<semaphore_mem>> -> memref<1x!tpu.dma_semaphore, #tpu.memory_space<semaphore_mem>>
    %dma_wait3A_290 = tpu.memref_squeeze %dma_wait3A_289 : memref<1x!tpu.dma_semaphore, #tpu.memory_space<semaphore_mem>> -> memref<!tpu.dma_semaphore, #tpu.memory_space<semaphore_mem>>
    tpu.wait_indirect_dma semaphore(%dma_wait3A_290 : memref<!tpu.dma_semaphore, #tpu.memory_space<semaphore_mem>>) src(%dma_wait3A_282 : memref<128x32xf32, #tpu.memory_space<vmem>>) dst(%dma_wait3A_288 : memref<819200x32xf32, #tpu.memory_space<hbm>>)
    %dma_wait3A_291 = arith.constant 9 : i32
    %dma_wait3A_292 = arith.constant 1152 : i32
    %dma_wait3A_293 = arith.constant 0 : i32
    %dma_wait3A_294 = tpu.memref_slice %arg6[%rem3A_173, %dma_wait3A_292, %dma_wait3A_293] : memref<2x1280x32xf32, #tpu.memory_space<vmem>> -> memref<1x128x32xf32, #tpu.memory_space<vmem>>
    %dma_wait3A_295 = tpu.memref_squeeze %dma_wait3A_294 : memref<1x128x32xf32, #tpu.memory_space<vmem>> -> memref<128x32xf32, #tpu.memory_space<vmem>>
    %dma_wait3A_296 = arith.constant 0 : i32
    %dma_wait3A_297 = tpu.memref_slice %arg7[%rem3A_173, %dma_wait3A_291, %dma_wait3A_296] : memref<2x10x128xi32, #tpu.memory_space<vmem>> -> memref<1x1x128xi32, #tpu.memory_space<vmem>>
    %dma_wait3A_298 = tpu.memref_squeeze %dma_wait3A_297 : memref<1x1x128xi32, #tpu.memory_space<vmem>> -> memref<128xi32, #tpu.memory_space<vmem>>
    %dma_wait3A_299 = arith.constant 0 : i32
    %dma_wait3A_300 = arith.constant 0 : i32
    %dma_wait3A_301 = tpu.memref_slice %arg4[%dma_wait3A_299, %dma_wait3A_300] : memref<819200x32xf32, #tpu.memory_space<hbm>> -> memref<819200x32xf32, #tpu.memory_space<hbm>>
    %dma_wait3A_302 = tpu.memref_slice %arg9[%rem3A_173] : memref<2x!tpu.dma_semaphore, #tpu.memory_space<semaphore_mem>> -> memref<1x!tpu.dma_semaphore, #tpu.memory_space<semaphore_mem>>
    %dma_wait3A_303 = tpu.memref_squeeze %dma_wait3A_302 : memref<1x!tpu.dma_semaphore, #tpu.memory_space<semaphore_mem>> -> memref<!tpu.dma_semaphore, #tpu.memory_space<semaphore_mem>>
    tpu.wait_indirect_dma semaphore(%dma_wait3A_303 : memref<!tpu.dma_semaphore, #tpu.memory_space<semaphore_mem>>) src(%dma_wait3A_295 : memref<128x32xf32, #tpu.memory_space<vmem>>) dst(%dma_wait3A_301 : memref<819200x32xf32, #tpu.memory_space<hbm>>)
    return
  }
}

module attributes {stable_mosaic.version = 14 : i64} {
  func.func @body(%arg0: i32, %arg1: memref<32x1024xf32, #tpu.memory_space<vmem>>, %arg2: memref<32x1024xf32, #tpu.memory_space<vmem>>, %arg3: memref<32x1024xf32, #tpu.memory_space<vmem>>, %arg4: memref<32x1024xf32, #tpu.memory_space<vmem>>, %arg5: memref<1024x128xf32, #tpu.memory_space<vmem>>) attributes {dimension_semantics = [#tpu.dimension_semantics<arbitrary>], iteration_bounds = array<i64: 245>, scalar_prefetch = 0 : i64, scratch_operands = 0 : i64, tpu.core_type = #tpu.core_type<tc>, window_params = [{transform_indices = @transform_0, window_bounds = array<i64: 32, 1024>}, {transform_indices = @transform_1, window_bounds = array<i64: 32, 1024>}, {transform_indices = @transform_2, window_bounds = array<i64: 32, 1024>}, {transform_indices = @transform_3, window_bounds = array<i64: 32, 1024>}, {transform_indices = @transform_4, window_bounds = array<i64: 1024, 128>}]} {
    %get3A = arith.constant 0 : index
    %get3A_0 = arith.constant 0 : index
    %get3A_1 = vector.load %arg1[%get3A, %get3A_0] : memref<32x1024xf32, #tpu.memory_space<vmem>>, vector<32x1024xf32>
    %transpose3A = tpu.transpose %get3A_1, [1, 0] : vector<32x1024xf32> -> vector<1024x32xf32>
    %swap3A = arith.constant 0 : index
    %swap3A_2 = arith.constant 0 : index
    %swap3A_3 = vector.load %arg5[%swap3A, %swap3A_2] : memref<1024x128xf32, #tpu.memory_space<vmem>>, vector<1024x32xf32>
    tpu.vector_store %arg5[%swap3A, %swap3A_2], %transpose3A {strides = array<i32>} : memref<1024x128xf32, #tpu.memory_space<vmem>>, vector<1024x32xf32>,
    %get3A_4 = arith.constant 0 : index
    %get3A_5 = arith.constant 0 : index
    %get3A_6 = vector.load %arg2[%get3A_4, %get3A_5] : memref<32x1024xf32, #tpu.memory_space<vmem>>, vector<32x1024xf32>
    %transpose3A_7 = tpu.transpose %get3A_6, [1, 0] : vector<32x1024xf32> -> vector<1024x32xf32>
    %swap3A_8 = arith.constant 0 : index
    %swap3A_9 = arith.constant 32 : index
    %swap3A_10 = vector.load %arg5[%swap3A_8, %swap3A_9] : memref<1024x128xf32, #tpu.memory_space<vmem>>, vector<1024x32xf32>
    tpu.vector_store %arg5[%swap3A_8, %swap3A_9], %transpose3A_7 {strides = array<i32>} : memref<1024x128xf32, #tpu.memory_space<vmem>>, vector<1024x32xf32>,
    %get3A_11 = arith.constant 0 : index
    %get3A_12 = arith.constant 0 : index
    %get3A_13 = vector.load %arg3[%get3A_11, %get3A_12] : memref<32x1024xf32, #tpu.memory_space<vmem>>, vector<32x1024xf32>
    %transpose3A_14 = tpu.transpose %get3A_13, [1, 0] : vector<32x1024xf32> -> vector<1024x32xf32>
    %swap3A_15 = arith.constant 0 : index
    %swap3A_16 = arith.constant 64 : index
    %swap3A_17 = vector.load %arg5[%swap3A_15, %swap3A_16] : memref<1024x128xf32, #tpu.memory_space<vmem>>, vector<1024x32xf32>
    tpu.vector_store %arg5[%swap3A_15, %swap3A_16], %transpose3A_14 {strides = array<i32>} : memref<1024x128xf32, #tpu.memory_space<vmem>>, vector<1024x32xf32>,
    %get3A_18 = arith.constant 0 : index
    %get3A_19 = arith.constant 0 : index
    %get3A_20 = vector.load %arg4[%get3A_18, %get3A_19] : memref<32x1024xf32, #tpu.memory_space<vmem>>, vector<32x1024xf32>
    %transpose3A_21 = tpu.transpose %get3A_20, [1, 0] : vector<32x1024xf32> -> vector<1024x32xf32>
    %swap3A_22 = arith.constant 0 : index
    %swap3A_23 = arith.constant 96 : index
    %swap3A_24 = vector.load %arg5[%swap3A_22, %swap3A_23] : memref<1024x128xf32, #tpu.memory_space<vmem>>, vector<1024x32xf32>
    tpu.vector_store %arg5[%swap3A_22, %swap3A_23], %transpose3A_21 {strides = array<i32>} : memref<1024x128xf32, #tpu.memory_space<vmem>>, vector<1024x32xf32>,
    return
  }
  func.func @transform_0(%arg0: i32) -> (i32, i32) {
    %add3A = arith.constant 0 : i32
    %add3A_0 = arith.addi %add3A, %arg0 : i32
    %min3A = arith.constant 976 : i32
    %min3A_1 = arith.minsi %add3A_0, %min3A : i32
    %c0_i32 = arith.constant 0 : i32
    %c0_i32_2 = arith.constant 0 : i32
    return %c0_i32, %min3A_1 : i32, i32
  }
  func.func @transform_1(%arg0: i32) -> (i32, i32) {
    %add3A = arith.constant 245 : i32
    %add3A_0 = arith.addi %add3A, %arg0 : i32
    %min3A = arith.constant 976 : i32
    %min3A_1 = arith.minsi %add3A_0, %min3A : i32
    %c0_i32 = arith.constant 0 : i32
    %c0_i32_2 = arith.constant 0 : i32
    return %c0_i32, %min3A_1 : i32, i32
  }
  func.func @transform_2(%arg0: i32) -> (i32, i32) {
    %add3A = arith.constant 490 : i32
    %add3A_0 = arith.addi %add3A, %arg0 : i32
    %min3A = arith.constant 976 : i32
    %min3A_1 = arith.minsi %add3A_0, %min3A : i32
    %c0_i32 = arith.constant 0 : i32
    %c0_i32_2 = arith.constant 0 : i32
    return %c0_i32, %min3A_1 : i32, i32
  }
  func.func @transform_3(%arg0: i32) -> (i32, i32) {
    %add3A = arith.constant 735 : i32
    %add3A_0 = arith.addi %add3A, %arg0 : i32
    %min3A = arith.constant 976 : i32
    %min3A_1 = arith.minsi %add3A_0, %min3A : i32
    %c0_i32 = arith.constant 0 : i32
    %c0_i32_2 = arith.constant 0 : i32
    return %c0_i32, %min3A_1 : i32, i32
  }
  func.func @transform_4(%arg0: i32) -> (i32, i32) {
    %c0_i32 = arith.constant 0 : i32
    %c0_i32_0 = arith.constant 0 : i32
    return %arg0, %c0_i32 : i32, i32
  }
}

module attributes {stable_mosaic.version = 14 : i64} {
  func.func @body(%arg0: i32, %arg1: memref<4096x128xf32, #tpu.memory_space<vmem>>, %arg2: memref<1x32x16384xf32, #tpu.memory_space<vmem>>) attributes {dimension_semantics = [#tpu.dimension_semantics<arbitrary>], iteration_bounds = array<i64: 50>, scalar_prefetch = 0 : i64, scratch_operands = 0 : i64, tpu.core_type = #tpu.core_type<tc>, window_params = [{transform_indices = @transform_0, window_bounds = array<i64: 4096, 128>}, {transform_indices = @transform_1, window_bounds = array<i64: 1, 32, 16384>}]} {
    %get3A = arith.constant 0 : index
    %get3A_0 = arith.constant 0 : index
    %get3A_1 = vector.load %arg1[%get3A, %get3A_0] : memref<4096x128xf32, #tpu.memory_space<vmem>>, vector<4096x128xf32>
    %slice3A = vector.extract_strided_slice %get3A_1 {offsets = [0, 0], sizes = [4096, 32], strides = [1, 1]} : vector<4096x128xf32> to vector<4096x32xf32>
    %transpose3A = tpu.transpose %slice3A, [1, 0] : vector<4096x32xf32> -> vector<32x4096xf32>
    %swap3A = arith.constant 0 : index
    %swap3A_2 = arith.constant 0 : index
    %swap3A_3 = arith.constant 0 : index
    %swap3A_4 = vector.load %arg2[%swap3A, %swap3A_2, %swap3A_3] : memref<1x32x16384xf32, #tpu.memory_space<vmem>>, vector<1x32x4096xf32>
    %swap3A_5 = vector.shape_cast %swap3A_4 : vector<1x32x4096xf32> to vector<32x4096xf32>
    %swap3A_6 = vector.shape_cast %transpose3A : vector<32x4096xf32> to vector<1x32x4096xf32>
    tpu.vector_store %arg2[%swap3A, %swap3A_2, %swap3A_3], %swap3A_6 {strides = array<i32>} : memref<1x32x16384xf32, #tpu.memory_space<vmem>>, vector<1x32x4096xf32>,
    %slice3A_7 = vector.extract_strided_slice %get3A_1 {offsets = [0, 32], sizes = [4096, 32], strides = [1, 1]} : vector<4096x128xf32> to vector<4096x32xf32>
    %transpose3A_8 = tpu.transpose %slice3A_7, [1, 0] : vector<4096x32xf32> -> vector<32x4096xf32>
    %swap3A_9 = arith.constant 0 : index
    %swap3A_10 = arith.constant 0 : index
    %swap3A_11 = arith.constant 4096 : index
    %swap3A_12 = vector.load %arg2[%swap3A_9, %swap3A_10, %swap3A_11] : memref<1x32x16384xf32, #tpu.memory_space<vmem>>, vector<1x32x4096xf32>
    %swap3A_13 = vector.shape_cast %swap3A_12 : vector<1x32x4096xf32> to vector<32x4096xf32>
    %swap3A_14 = vector.shape_cast %transpose3A_8 : vector<32x4096xf32> to vector<1x32x4096xf32>
    tpu.vector_store %arg2[%swap3A_9, %swap3A_10, %swap3A_11], %swap3A_14 {strides = array<i32>} : memref<1x32x16384xf32, #tpu.memory_space<vmem>>, vector<1x32x4096xf32>,
    %slice3A_15 = vector.extract_strided_slice %get3A_1 {offsets = [0, 64], sizes = [4096, 32], strides = [1, 1]} : vector<4096x128xf32> to vector<4096x32xf32>
    %transpose3A_16 = tpu.transpose %slice3A_15, [1, 0] : vector<4096x32xf32> -> vector<32x4096xf32>
    %swap3A_17 = arith.constant 0 : index
    %swap3A_18 = arith.constant 0 : index
    %swap3A_19 = arith.constant 8192 : index
    %swap3A_20 = vector.load %arg2[%swap3A_17, %swap3A_18, %swap3A_19] : memref<1x32x16384xf32, #tpu.memory_space<vmem>>, vector<1x32x4096xf32>
    %swap3A_21 = vector.shape_cast %swap3A_20 : vector<1x32x4096xf32> to vector<32x4096xf32>
    %swap3A_22 = vector.shape_cast %transpose3A_16 : vector<32x4096xf32> to vector<1x32x4096xf32>
    tpu.vector_store %arg2[%swap3A_17, %swap3A_18, %swap3A_19], %swap3A_22 {strides = array<i32>} : memref<1x32x16384xf32, #tpu.memory_space<vmem>>, vector<1x32x4096xf32>,
    %slice3A_23 = vector.extract_strided_slice %get3A_1 {offsets = [0, 96], sizes = [4096, 32], strides = [1, 1]} : vector<4096x128xf32> to vector<4096x32xf32>
    %transpose3A_24 = tpu.transpose %slice3A_23, [1, 0] : vector<4096x32xf32> -> vector<32x4096xf32>
    %swap3A_25 = arith.constant 0 : index
    %swap3A_26 = arith.constant 0 : index
    %swap3A_27 = arith.constant 12288 : index
    %swap3A_28 = vector.load %arg2[%swap3A_25, %swap3A_26, %swap3A_27] : memref<1x32x16384xf32, #tpu.memory_space<vmem>>, vector<1x32x4096xf32>
    %swap3A_29 = vector.shape_cast %swap3A_28 : vector<1x32x4096xf32> to vector<32x4096xf32>
    %swap3A_30 = vector.shape_cast %transpose3A_24 : vector<32x4096xf32> to vector<1x32x4096xf32>
    tpu.vector_store %arg2[%swap3A_25, %swap3A_26, %swap3A_27], %swap3A_30 {strides = array<i32>} : memref<1x32x16384xf32, #tpu.memory_space<vmem>>, vector<1x32x4096xf32>,
    return
  }
  func.func @transform_0(%arg0: i32) -> (i32, i32) {
    %c0_i32 = arith.constant 0 : i32
    %c0_i32_0 = arith.constant 0 : i32
    return %arg0, %c0_i32 : i32, i32
  }
  func.func @transform_1(%arg0: i32) -> (i32, i32, i32) {
    %c0_i32 = arith.constant 0 : i32
    %c0_i32_0 = arith.constant 0 : i32
    %c0_i32_1 = arith.constant 0 : i32
    return %arg0, %c0_i32, %c0_i32_0 : i32, i32, i32
  }
}

</mosaic_0001>

<sc_bundles>
// kernel: kernel.5.cloned.1.call-start
scs
__scs_entry_jumppad:
0x0: {  	(pc) =	sbr.rel $0x88, $3  }
0x1: {  	(tag) =	ssettag $0x0;
	lr =	simm.s32 $0x1  }
0x2: {  	[smem:$0x3F9F] =	sst lr;
	_ =	strace $0xD0000000  }
0x3: {  	_ = 	snop  }
0x4: {  	_ = 	snop  }
0x5: {  	_ = 	snop  }
0x6: {  	_ = 	snop  }
0x7: {  	_ = 	snop  }
__scs_overlays_trampoline_lowered:
0x8: {  	[smem:$0x3FAE] =	sst s0  }
0x9: {  	[smem:$0x3FAF] =	sst s1  }
0xa: {  	[smem:$0x3FB0] =	sst s2  }
0xb: {  	[smem:$0x3FB1] =	sst s3  }
0xc: {  	[smem:$0x3FB2] =	sst s4  }
0xd: {  	[smem:$0x3FB3] =	sst s5  }
0xe: {  	[smem:$0x3FB4] =	sst s6  }
0xf: {  	[smem:$0x3FB5] =	sst s7  }
0x10: {  	[smem:$0x3FB6] =	sst s8  }
0x11: {  	[smem:$0x3FB7] =	sst s9;
	s0 =	simm.s32 @!p0 $0x0  }
0x12: {  	s1 =	sld [smem:$0x3F9D];
	s0 =	simm.s32 @p0 $0x1  }
0x13: {  	[smem:$0x3FB8] =	sst s0;
	s0 =	simm.s32 @!p1 $0x0  }
0x14: {  	s2 =	sld [smem:$0x3F9C];
	s0 =	simm.s32 @p1 $0x1  }
0x15: {  	[smem:$0x3FB9] =	sst s0;
	s0 =	simm.s32 @!p2 $0x0  }
0x16: {  	s3 =	sld [smem:$0x3FDB];
	s0 =	simm.s32 @p2 $0x1  }
0x17: {  	s4 =	simm.s32 $0x1BF5;
	[smem:$0x3FBB] =	sst s0  }
0x18: {  	s0 =	sld [smem:$0x3F9E];
	_ =	swait.ge [sflag:s4], $0x0  }
0x19: {  	s7 =	sld [smem:$0x3F9F]  }
0x1a: {  	s8 =	sadd.s32 $0xFFFFE003, lr  }
0x1b: {  	s9 =	sadd.s32 $0xFFFFFEF7, lr;
	s5 =	simm.s32 $0xFFFFFFFF;
	p2 =	slt.u32 s8, $0xFFFFF086  }
0x1c: {  	p1 =	slt.u32 s9, $0xF7A;
	s5 =	simm.s32 @!p2 $0x0  }
0x1d: {  	s5 =	simm.s32 @p1 $0x1;
	p0 =	seq.s32 s7, s2  }
0x1e: {  	s7 =	smul.u32 @!p0 $0xF7A, s2;
	p2 =	seq.s32 @!p0 s5, $0x0  }
0x1f: {  	s9 =	smul.u32 $0xF7A, s1;
	s8 =	simm.s32 @!p0 $0x1BF5;
	p2 =	por !p2, p0  }
0x20: {  	[sflag:s8] =	ssyncset.s32 @!p0 $0xFFFFF086;
	s6 =	sadd.s32 @!p0 s3, s7;
	s7 =	simm.s32 @!p0 $0x108  }
0x21: {  	s3 =	sadd.s32 s3, s9;
	s6 =	sadd.s32 @!p0 $0x88, s6;
	s7 =	simm.s32 @p2 $0x1082  }
0x22: {  	[simem:s7], [sflag:s8] =	dma.local @!p0 [hbm:s6], $0xF7A  }
0x23: {  	s9 =	sor.u32 $0xD0000000, s2;
	s6 =	simm.s32 $0x108;
	_ =	swait.ge @!p0 [sflag:s8], $0x0  }
0x24: {  	s3 =	sadd.s32 $0x88, s3;
	s6 =	simm.s32 @!p1 $0x1082;
	[sflag:s4] =	ssyncset.s32 $0xFFFFF086  }
0x25: {  	[simem:s6], [sflag:s4] =	dma.local [hbm:s3], $0xF7A  }
0x26: {  	[smem:$0x3F9F] =	sst s1;
	(tag) =	ssettag s2;
	_ =	strace s9  }
0x27: {  	s1 =	sld [smem:$0x3FAF]  }
0x28: {  	s2 =	sld [smem:$0x3FB0]  }
0x29: {  	s4 =	sld [smem:$0x3FB2]  }
0x2a: {  	p0 =	seq.s32 s5, $0x0;
	s5 =	sld [smem:$0x3FB3]  }
0x2b: {  	s6 =	sld [smem:$0x3FB4]  }
0x2c: {  	s7 =	sld [smem:$0x3FB5]  }
0x2d: {  	s3 =	simm.s32 $0x108;
	s8 =	sld [smem:$0x3FB6]  }
0x2e: {  	s3 =	simm.s32 @!p0 $0x1082;
	s9 =	sld [smem:$0x3FB7]  }
0x2f: {  	lr =	sadd.s32 s0, s3;
	s0 =	sld [smem:$0x3FAE]  }
0x30: {  	s3 =	sld [smem:$0x3FB1]  }
0x31: {  	[smem:$0x3FBA] =	sst s10  }
0x32: {  	s10 =	sld [smem:$0x3FB8];
	_ =	sdelay $0x3  }
0x33: {  	p0 =	seq.s32 s10, $0x1;
	s10 =	sld [smem:$0x3FBA];
	_ =	sdelay $0x3  }
0x34: {  	[smem:$0x3FBA] =	sst s10  }
0x35: {  	s10 =	sld [smem:$0x3FB9];
	_ =	sdelay $0x3  }
0x36: {  	p1 =	seq.s32 s10, $0x1;
	s10 =	sld [smem:$0x3FBA];
	_ =	sdelay $0x3  }
0x37: {  	[smem:$0x3FBA] =	sst s10  }
0x38: {  	s10 =	sld [smem:$0x3FBB]  }
0x39: {  	_ = 	snop;
	(pc) =	sbr.ind lr, $3  }
0x3a: {  	_ = 	snop  }
0x3b: {  	_ = 	snop  }
0x3c: {  	p2 =	seq.s32 s10, $0x1;
	s10 =	sld [smem:$0x3FBA]  }
0x3d: {  	_ =	shalt  }
0x3e: {  	_ =	shalt  }
0x3f: {  	_ =	shalt  }
0x40: {  	_ =	shalt  }
0x41: {  	_ =	shalt  }
0x42: {  	_ =	shalt  }
0x43: {  	_ =	shalt  }
0x44: {  	_ =	shalt  }
0x45: {  	_ =	shalt  }
0x46: {  	_ =	shalt  }
0x47: {  	_ =	shalt  }
0x48: {  	_ =	shalt  }
0x49: {  	_ =	shalt  }
0x4a: {  	_ =	shalt  }
0x4b: {  	_ =	shalt  }
0x4c: {  	_ =	shalt  }
0x4d: {  	_ =	shalt  }
0x4e: {  	_ =	shalt  }
0x4f: {  	_ =	shalt  }
0x50: {  	_ =	shalt  }
0x51: {  	_ =	shalt  }
0x52: {  	_ =	shalt  }
0x53: {  	_ =	shalt  }
0x54: {  	_ =	shalt  }
0x55: {  	_ =	shalt  }
0x56: {  	_ =	shalt  }
0x57: {  	_ =	shalt  }
0x58: {  	_ =	shalt  }
0x59: {  	_ =	shalt  }
0x5a: {  	_ =	shalt  }
0x5b: {  	_ =	shalt  }
0x5c: {  	_ =	shalt  }
0x5d: {  	_ =	shalt  }
0x5e: {  	_ =	shalt  }
0x5f: {  	_ =	shalt  }
0x60: {  	_ =	shalt  }
0x61: {  	_ =	shalt  }
0x62: {  	_ =	shalt  }
0x63: {  	_ =	shalt  }
0x64: {  	_ =	shalt  }
0x65: {  	_ =	shalt  }
0x66: {  	_ =	shalt  }
0x67: {  	_ =	shalt  }
0x68: {  	_ =	shalt  }
0x69: {  	_ =	shalt  }
0x6a: {  	_ =	shalt  }
0x6b: {  	_ =	shalt  }
0x6c: {  	_ =	shalt  }
0x6d: {  	_ =	shalt  }
0x6e: {  	_ =	shalt  }
0x6f: {  	_ =	shalt  }
0x70: {  	_ =	shalt  }
0x71: {  	_ =	shalt  }
0x72: {  	_ =	shalt  }
0x73: {  	_ =	shalt  }
0x74: {  	_ =	shalt  }
0x75: {  	_ =	shalt  }
0x76: {  	_ =	shalt  }
0x77: {  	_ =	shalt  }
0x78: {  	_ =	shalt  }
0x79: {  	_ =	shalt  }
0x7a: {  	_ =	shalt  }
0x7b: {  	_ =	shalt  }
0x7c: {  	_ =	shalt  }
0x7d: {  	_ =	shalt  }
0x7e: {  	_ =	shalt  }
0x7f: {  	_ =	shalt  }
0x80: {  	_ =	shalt  }
0x81: {  	_ =	shalt  }
0x82: {  	_ =	shalt  }
0x83: {  	_ =	shalt  }
0x84: {  	_ =	shalt  }
0x85: {  	_ =	shalt  }
0x86: {  	_ =	shalt  }
0x87: {  	_ =	shalt  }
.Lfunc_end0:
.L_simem_size_0:
called_computation_lowered:
.L_overlay_start_0:
0x88: {  	s2 =	sld [smem:$0x3FD9]  }
0x89: {  	s3 =	sld [smem:$0x3FFE];
	_ =	sdelay $0x1  }
0x8a: {  	s1 =	srdreg.scid  }
0x8b: {  	s0 =	sand.u32 $0x1, s1  }
0x8c: {  	s17 =	sshll.u32 s0, $0xA;
	s2 =	sadd.s32 s3, s2  }
0x8d: {  	s2 =	sadd.s32 s2, s17  }
0x8e: {  	[smem:$0x3FC6] =	sst s2  }
0x8f: {  	_ = 	snop  }
0x90: {  	s2 =	sld [smem:$0x3FD0];
	(tm) =	ssettm $0x1  }
0x91: {  	s18 =	sld [smem:$0x3FFB];
	_ =	sdelay $0x3  }
0x92: {  	_ =	strace s18  }
0x93: {  	s3 =	sld [smem:$0x3FFC];
	_ =	sdelay $0x3  }
0x94: {  	_ =	strace s3  }
0x95: {  	s3 =	sld [smem:$0x3FFD];
	_ =	sdelay $0x3  }
0x96: {  	_ =	strace s3  }
0x97: {  	_ =	strace $0x8FFFFFFF  }
0x98: {  	s19 =	sld [smem:$0x3FDB];
	_ =	sdelay $0x1  }
0x99: {  	s4 =	simm.s32 $_scs_section_size  }
0x9a: {  	s5 =	simm.s32 $_size__tile_overlayer_lowered;
	s6 =	simm.s32 $_tile_overlayer_lowered  }
0x9b: {  	s22 =	simm.s32 $0x1BFF;
	s21 =	sshll.u32 s6, $0x1;
	s3 =	sadd.s32 s4, s19  }
0x9c: {  	s7 =	simm.s32 $0x0;
	s20 =	sshll.u32 s5, $0x1;
	s5 =	sadd.s32 s21, s3  }
0x9d: {  	[timem:s7], [sflag:s22] =	dma.local [hbm:s5], s20  }
0x9e: {  	_ =	swait.ge [sflag:s22], s20  }
0x9f: {  	s4 =	ssub.s32 $0x0, s20;
	[sflag:s22] =	ssyncset.done $0x0  }
0xa0: {  	[sflag:s22] =	ssyncadd.s32 s4;
	_ =	sdelay $0x1  }
0xa1: {  	s23 =	simm.s32 $0x1B8B  }
0xa2: {  	_ =	swait.ge [sflag:s23], $0x1  }
0xa3: {  	[sflag:s23] =	ssyncset.done $0x0  }
0xa4: {  	s25 =	simm.s32 $0x1B8E;
	s24 =	sld [smem:$0x3FFE];
	[sflag:s23] =	ssyncadd.s32 $0xFFFFFFFF  }
0xa5: {  	s26 =	simm.s32 $execute0_lowered;
	[smem:$0x3FD2] =	sst s25  }
0xa6: {  	s5 =	sshll.u32 s26, $0x1;
	_ =	strace $0x80000046;
	[dreg:$0x1] =	wrdreg $0xFFFFFFFF  }
0xa7: {  	s28 =	simm.s32 $_size_execute0_lowered;
	s3 =	sadd.s32 s3, s5;
	[dreg:$0x0] =	wrdreg $0x0  }
0xa8: {  	s5 =	sshll.u32 s28, $0x1;
	[dreg:$0x2] =	wrdreg s3  }
0xa9: {  	[dreg:$0x3] =	wrdreg s5  }
0xaa: {  	[dreg:$0x4] =	wrdreg $0xC0  }
0xab: {  	_ =	task [dreg:s7], $0x5FFFF  }
0xac: {  	[dreg:$0x1] =	wrdreg $0xFFFFFFFF  }
0xad: {  	[dreg:$0x0] =	wrdreg $0x60  }
0xae: {  	[dreg:$0x2] =	wrdreg s2  }
0xaf: {  	[dreg:$0x3] =	wrdreg s24  }
0xb0: {  	[dreg:$0x4] =	wrdreg $0x9  }
0xb1: {  	_ =	task.clear_ibuf [dreg:s7], $0x5FFFF;
	_ =	strace $0x90000046  }
0xb2: {  	s29 =	simm.s32 $0x9;
	_ =	strace $0x80000048  }
0xb3: {  	_ =	swait.ge [sflag:s29], $0x1  }
0xb4: {  	[sflag:s29] =	ssyncadd.s32 $0xFFFFFFFF  }
0xb5: {  	_ =	strace $0x90000048  }
0xb6: {  	_ =	sfence  }
0xb7: {  	s30 =	sld [smem:$0x0];
	_ =	sdelay $0x2  }
0xb8: {  	s31 =	sshll.u32 s1, $0xD;
	s1 =	sshrl.u32 s1, $0x2  }
0xb9: {  	s3 =	sand.u32 $0x4000, s31;
	s1 =	sadd.s32 s1, s30  }
0xba: {  	s0 =	sor.u32 s3, s0;
	s1 =	sshll.u32 s1, $0x11  }
0xbb: {  	s0 =	sor.u32 s1, s0  }
0xbc: {  	s0 =	sadd.s32 $0x8F2B, s0  }
0xbd: {  	[sflag:s0] =	ssyncadd.remote.s32 $0x1  }
0xbe: {  	_ =	sfence.sel $0xFFFF  }
0xbf: {  	[dreg:$0x0] =	wrdreg $0xFFFFFFFF;
	(pc) =	sbr.abs _section_cstart, $3  }
0xc0: {  	[dreg:$0x1] =	wrdreg $0xFFFFFFFF  }
0xc1: {  	_ =	task.clear_ibuf [dreg:s7], $0x2FFFF;
	_ =	strace $0x9FFFFFFF  }
0xc2: {  	(tm) =	ssettm $0x7FFFFFFF  }
0xc3: {  	_ =	shalt  }
tec
execute0_lowered:
.L_overlay_start_1:
0x0: {  	(tag) =	ssettag $0x1  }
0x1: {  	s1 =	srdreg.scid;
	s5 =	rddreg [dreg:$0x0]  }
0x2: {  	s0 =	stileid.u32;
	s4 =	rddreg [dreg:$0x1];
	s2 =	simm.s32 $0x0  }
0x3: {  	s13 =	simm.s32 $0x3;
	s14 =	simm.s32 $0x4;
	s7 =	smul.u32 $0x28, s0  }
0x4: {  	s15 =	simm.s32 $0x0;
	s3 =	sand.u32 $0x1, s1;
	s10 =	smul.u32 $0xC800, s0  }
0x5: {  	s29 =	sshll.u32 s0, $0x1;
	[smem:$0x7FF] =	sst s2;
	s8 =	smul.u32 $0x14, s3  }
0x6: {  	s1 =	sor.u32 s3, s29;
	s9 =	ssub.s32 $0x2, s3;
	s12 =	smul.u32 $0x6400, s3  }
0x7: {  	s3 =	sadd.s32 $0x400, s4;
	s4 =	sadd.s32 $0x3D4400, s4;
	s6 =	smul.u32 $0xC80, s1  }
.Ltmp0:
0x8: {  	s1 =	rddreg [dreg:$0x2];
	s11 =	sshrl.u32 s9, $0x1;
	(pc) =	sbr.rel .LBB2_1-.Ltmp0, $4  }
0x9: {  	_ =	strace $0x80000047;
	s7 =	sadd.s32 s8, s7;
	s30 =	ssub.s32 s9, s11  }
0xa: {  	s9 =	simm.s32 $0x5;
	s11 =	simm.s32 $0x6400;
	s31 =	smul.u32 $0x500, s7  }
0xb: {  	s5 =	sadd.s32 s5, s6;
	s6 =	smax.u32 s30, $0x1;
	s7 =	sadd.s32 s12, s10  }
0xc: {  	v0 =	vlaneseq.u32;
	s10 =	simm.s32 $0x500;
	s12 =	simm.s32 $0x80;
	s8 =	sadd.s32 $0x500, s31  }
.LBB2_11:
0xd: {  	_ =	swait.ge [sflag:s13], $0x1000  }
0xe: {  	[sflag:s13] =	ssyncset.done $0x0  }
0xf: {  	[sflag:s13] =	ssyncadd.s32 $0xFFFFF000  }
0x10: {  	_ =	swait.ge [sflag:s13], $0x1000  }
0x11: {  	[sflag:s13] =	ssyncset.done $0x0  }
0x12: {  	[sflag:s13] =	ssyncadd.s32 $0xFFFFF000  }
0x13: {  	_ =	swait.ge [sflag:s13], $0x1000  }
0x14: {  	[sflag:s13] =	ssyncset.done $0x0  }
0x15: {  	[sflag:s13] =	ssyncadd.s32 $0xFFFFF000  }
0x16: {  	_ =	swait.ge [sflag:s13], $0x1000  }
0x17: {  	[sflag:s13] =	ssyncset.done $0x0  }
0x18: {  	[sflag:s13] =	ssyncadd.s32 $0xFFFFF000  }
0x19: {  	_ =	swait.ge [sflag:s13], $0x1000  }
0x1a: {  	[sflag:s13] =	ssyncset.done $0x0  }
0x1b: {  	[sflag:s13] =	ssyncadd.s32 $0xFFFFF000  }
0x1c: {  	_ =	swait.ge [sflag:s13], $0x1000  }
0x1d: {  	[sflag:s13] =	ssyncset.done $0x0  }
0x1e: {  	[sflag:s13] =	ssyncadd.s32 $0xFFFFF000  }
0x1f: {  	_ =	swait.ge [sflag:s13], $0x1000  }
0x20: {  	[sflag:s13] =	ssyncset.done $0x0  }
0x21: {  	[sflag:s13] =	ssyncadd.s32 $0xFFFFF000  }
0x22: {  	_ =	swait.ge [sflag:s13], $0x1000  }
0x23: {  	[sflag:s13] =	ssyncset.done $0x0  }
0x24: {  	[sflag:s13] =	ssyncadd.s32 $0xFFFFF000  }
0x25: {  	_ =	swait.ge [sflag:s13], $0x1000  }
0x26: {  	[sflag:s13] =	ssyncset.done $0x0  }
0x27: {  	[sflag:s13] =	ssyncadd.s32 $0xFFFFF000  }
0x28: {  	_ =	swait.ge [sflag:s13], $0x1000  }
0x29: {  	[sflag:s13] =	ssyncset.done $0x0  }
0x2a: {  	[sflag:s13] =	ssyncadd.s32 $0xFFFFF000  }
0x2b: {  	_ =	swait.ge [sflag:s14], $0x1000  }
0x2c: {  	[sflag:s14] =	ssyncset.done $0x0  }
0x2d: {  	[sflag:s14] =	ssyncadd.s32 $0xFFFFF000  }
0x2e: {  	_ =	swait.ge [sflag:s14], $0x1000  }
0x2f: {  	[sflag:s14] =	ssyncset.done $0x0  }
0x30: {  	[sflag:s14] =	ssyncadd.s32 $0xFFFFF000  }
0x31: {  	_ =	swait.ge [sflag:s14], $0x1000  }
0x32: {  	[sflag:s14] =	ssyncset.done $0x0  }
0x33: {  	[sflag:s14] =	ssyncadd.s32 $0xFFFFF000  }
0x34: {  	_ =	swait.ge [sflag:s14], $0x1000  }
0x35: {  	[sflag:s14] =	ssyncset.done $0x0  }
0x36: {  	[sflag:s14] =	ssyncadd.s32 $0xFFFFF000  }
0x37: {  	_ =	swait.ge [sflag:s14], $0x1000  }
0x38: {  	[sflag:s14] =	ssyncset.done $0x0  }
0x39: {  	[sflag:s14] =	ssyncadd.s32 $0xFFFFF000  }
0x3a: {  	_ =	swait.ge [sflag:s14], $0x1000  }
0x3b: {  	[sflag:s14] =	ssyncset.done $0x0  }
0x3c: {  	[sflag:s14] =	ssyncadd.s32 $0xFFFFF000  }
0x3d: {  	_ =	swait.ge [sflag:s14], $0x1000  }
0x3e: {  	[sflag:s14] =	ssyncset.done $0x0  }
0x3f: {  	[sflag:s14] =	ssyncadd.s32 $0xFFFFF000  }
0x40: {  	_ =	swait.ge [sflag:s14], $0x1000  }
0x41: {  	[sflag:s14] =	ssyncset.done $0x0  }
0x42: {  	s15 =	sadd.s32 $0x1, s15;
	[sflag:s14] =	ssyncadd.s32 $0xFFFFF000  }
0x43: {  	p0 =	sne.s32 s15, s6;
	_ =	swait.ge [sflag:s14], $0x1000  }
.Ltmp1:
0x44: {  	[sflag:s14] =	ssyncset.done $0x0;
	(pc) =	sbr.rel @!p0 .LBB2_12-.Ltmp1, $4  }
0x45: {  	[sflag:s14] =	ssyncadd.s32 $0xFFFFF000  }
0x46: {  	_ =	swait.ge [sflag:s14], $0x1000  }
0x47: {  	[sflag:s14] =	ssyncset.done $0x0  }
0x48: {  	[sflag:s14] =	ssyncadd.s32 $0xFFFFF000  }
.LBB2_1:
0x49: {  	[tilespmem:s2], [sflag:$0x5] =	stream.linear.gather [hbm4b:s5+s2], $0x6400, $0x38;
	v1 =	vor.u32 s7, v0;
	[tilespmem:$0x1AE00] =	vst v63  }
0x4a: {  	_ =	swait.ge [sflag:s9], $0x6400;
	v2 =	vmulhi.u32 $0x51EB851F, v1  }
0x4b: {  	s17 =	simm.s32 $0x40;
	[sflag:s9] =	ssyncset.done $0x0  }
0x4c: {  	s18 =	sadd.s32 $0x10, s7;
	s16 =	simm.s32 $0x0;
	[sflag:s9] =	ssyncadd.s32 $0xFFFF9C00;
	v3 =	vshrl.u32 v2, $0x4  }
0x4d: {  	v4 =	vmov s7;
	[tilespmem:s11], [sflag:$0x1] =	stream.indirect.gather [hbm4b:s3+s10], $0x20, s2, s10, $0xb8;
	v3 =	vmul.u32 $0xFFFFFFCE, v3;
	[tilespmem:$0x1AE00] =	vst v63  }
.LBB2_2:
0x4e: {  	v5 =	vor.u32 s18, v0;
	v4 =	vmulhi.u32 $0x51EB851F, v4;
	s19 =	smov.u32 s17;
	p0 =	sne.s32 s17, $0x13C0  }
.Ltmp2:
0x4f: {  	s17 =	sadd.s32 $0x40, s17;
	v6 =	vmulhi.u32 $0x51EB851F, v5;
	v3 =	vadd.s32 v1, v3;
	v1 =	vmov v5;
	(pc) =	sbr.rel @p0 .LBB2_2-.Ltmp2, $4  }
0x50: {  	v7 =	vshrl.u32 v2, $0x2;
	v4 =	vshrl.u32 v4, $0x10;
	v3 =	vshll.u32 v3, $0xE  }
0x51: {  	s20 =	sand.u32 $0x1FC0, s16;
	v5 =	vand.u32 $0x3FFC, v7;
	s16 =	smov.u32 s19;
	v3 =	vor.u32 v4, v3;
	v2 =	vmov v6  }
0x52: {  	s19 =	sshrl.u32 s20, $0x2;
	v6 =	vshrl.u32 v2, $0x4;
	v5 =	vadd.s32 v5, v3  }
0x53: {  	v4 =	vmov s18;
	s18 =	sadd.s32 $0x10, s18;
	v3 =	vmul.u32 $0xFFFFFFCE, v6;
	[tilespmem:s19+$0x1A400] =	vst v5  }
0x54: {  	v4 =	vmulhi.u32 $0x51EB851F, v4  }
.Ltmp3:
0x55: {  	v1 =	vadd.s32 v1, v3;
	(pc) =	sbr.rel .LBB2_4-.Ltmp3, $4  }
0x56: {  	v2 =	vshrl.u32 v2, $0x2;
	v3 =	vshrl.u32 v4, $0x10;
	v1 =	vshll.u32 v1, $0xE  }
0x57: {  	s16 =	sand.u32 $0x1FC0, s16;
	v2 =	vand.u32 $0x3FFC, v2;
	v1 =	vor.u32 v3, v1  }
0x58: {  	s16 =	sshrl.u32 s16, $0x2;
	v1 =	vadd.s32 v2, v1  }
0x59: {  	s18 =	simm.s32 $0x0;
	[tilespmem:s16+$0x1A400] =	vst v1;
	s16 =	smov.u32 s8  }
.LBB2_9:
0x5a: {  	v4 =	vmulhi.u32 $0x51EB851F, v4  }
0x5b: {  	v1 =	vadd.s32 v1, v3;
	s21 =	sand.u32 $0x1E00, s20  }
0x5c: {  	v2 =	vshrl.u32 v2, $0x2;
	s31 =	sand.u32 $0x1C0, s20;
	v1 =	vshll.u32 v1, $0xE;
	s21 =	sshrl.u32 s21, $0x2;
	v3 =	vshrl.u32 v4, $0x10  }
0x5d: {  	v2 =	vand.u32 $0x3FFC, v2;
	s20 =	sshrl.u32 s31, $0x2;
	s19 =	sadd.s32 s21, s19;
	v1 =	vor.u32 v3, v1  }
0x5e: {  	s19 =	sadd.s32 s20, s19;
	v1 =	vadd.s32 v2, v1  }
0x5f: {  	[tilespmem:s19+$0x0] =	vst v1  }
.LBB2_10:
0x60: {  	s18 =	sand.u32 $0x1, s18  }
0x61: {  	s19 =	sadd.s32 $0x1, s18;
	s20 =	smul.u32 $0x28000, s18  }
0x62: {  	s21 =	smul.u32 $0x1400, s18;
	_ =	swait.ge [sflag:s19], $0xA000  }
0x63: {  	[sflag:s19] =	ssyncset.done $0x0  }
0x64: {  	[sflag:s19] =	ssyncadd.s32 $0xFFFF6000;
	s19 =	sshrl.u32 s20, $0x2;
	s20 =	sshrl.u32 s21, $0x2  }
0x65: {  	s18 =	sadd.s32 $0x3, s18;
	s31 =	sadd.s32 $0x6400, s19;
	s22 =	sadd.s32 $0x1A400, s20  }
0x66: {  	[hbm4b:s4+s12] =	stream.indirect.scatter [tilespmem:s31], [sflag:s18], $0x20, s22, s12, $0xb8;
	[tilespmem:$0x1AE00] =	vst v63  }
0x67: {  	s23 =	sadd.s32 $0x7400, s19;
	s24 =	sadd.s32 $0x1A480, s20  }
0x68: {  	[hbm4b:s4+s12] =	stream.indirect.scatter [tilespmem:s23], [sflag:s18], $0x20, s24, s12, $0xb8;
	[tilespmem:$0x1AE00] =	vst v63  }
0x69: {  	s25 =	sadd.s32 $0x8400, s19;
	s26 =	sadd.s32 $0x1A500, s20  }
0x6a: {  	[hbm4b:s4+s12] =	stream.indirect.scatter [tilespmem:s25], [sflag:s18], $0x20, s26, s12, $0xb8;
	[tilespmem:$0x1AE00] =	vst v63  }
0x6b: {  	s28 =	sadd.s32 $0x9400, s19;
	s29 =	sadd.s32 $0x1A580, s20  }
0x6c: {  	[hbm4b:s4+s12] =	stream.indirect.scatter [tilespmem:s28], [sflag:s18], $0x20, s29, s12, $0xb8;
	[tilespmem:$0x1AE00] =	vst v63  }
0x6d: {  	s30 =	sadd.s32 $0xA400, s19;
	s31 =	sadd.s32 $0x1A600, s20  }
0x6e: {  	[hbm4b:s4+s12] =	stream.indirect.scatter [tilespmem:s30], [sflag:s18], $0x20, s31, s12, $0xb8;
	[tilespmem:$0x1AE00] =	vst v63  }
0x6f: {  	s23 =	sadd.s32 $0xB400, s19;
	s24 =	sadd.s32 $0x1A680, s20  }
0x70: {  	[hbm4b:s4+s12] =	stream.indirect.scatter [tilespmem:s23], [sflag:s18], $0x20, s24, s12, $0xb8;
	[tilespmem:$0x1AE00] =	vst v63  }
0x71: {  	s25 =	sadd.s32 $0xC400, s19;
	s26 =	sadd.s32 $0x1A700, s20  }
0x72: {  	[hbm4b:s4+s12] =	stream.indirect.scatter [tilespmem:s25], [sflag:s18], $0x20, s26, s12, $0xb8;
	[tilespmem:$0x1AE00] =	vst v63  }
0x73: {  	p0 =	sne.s32 s17, $0x14;
	s28 =	sadd.s32 $0xD400, s19;
	s29 =	sadd.s32 $0x1A780, s20  }
0x74: {  	[hbm4b:s4+s12] =	stream.indirect.scatter [tilespmem:s28], [sflag:s18], $0x20, s29, s12, $0xb8;
	[tilespmem:$0x1AE00] =	vst v63  }
.Ltmp4:
0x75: {  	s30 =	sadd.s32 $0xE400, s19;
	s31 =	sor.u32 $0x1A800, s20;
	(pc) =	sbr.rel @!p0 .LBB2_11-.Ltmp4, $4  }
0x76: {  	[hbm4b:s4+s12] =	stream.indirect.scatter [tilespmem:s30], [sflag:s18], $0x20, s31, s12, $0xb8;
	[tilespmem:$0x1AE00] =	vst v63  }
0x77: {  	s19 =	sadd.s32 $0xF400, s19;
	s20 =	sor.u32 $0x1A880, s20  }
0x78: {  	[hbm4b:s4+s12] =	stream.indirect.scatter [tilespmem:s19], [sflag:s18], $0x20, s20, s12, $0xb8;
	[tilespmem:$0x1AE00] =	vst v63  }
0x79: {  	s16 =	sadd.s32 $0x500, s16;
	s18 =	smov.u32 s17  }
.LBB2_4:
0x7a: {  	p0 =	seq.s32 s18, $0x0  }
.Ltmp5:
0x7b: {  	_ = 	snop;
	(pc) =	sbr.rel @p0 .LBB2_7-.Ltmp5, $3  }
0x7c: {  	_ =	sdelay $0x1  }
0x7d: {  	s17 =	sadd.s32 $0x1, s18  }
0x7e: {  	s19 =	sand.u32 $0x1, s17  }
0x7f: {  	p0 =	seq.s32 s18, $0x13  }
.Ltmp6:
0x80: {  	_ = 	snop;
	(pc) =	sbr.rel @p0 .LBB2_10-.Ltmp6, $1  }
0x81: {  	_ =	sdelay $0x3  }
0x82: {  	s20 =	sadd.s32 $0x3, s19  }
0x83: {  	_ =	swait.ge [sflag:s20], $0x1000  }
0x84: {  	[sflag:s20] =	ssyncset.done $0x0  }
0x85: {  	[sflag:s20] =	ssyncadd.s32 $0xFFFFF000  }
0x86: {  	_ =	swait.ge [sflag:s20], $0x1000  }
0x87: {  	[sflag:s20] =	ssyncset.done $0x0  }
0x88: {  	[sflag:s20] =	ssyncadd.s32 $0xFFFFF000  }
0x89: {  	_ =	swait.ge [sflag:s20], $0x1000  }
0x8a: {  	[sflag:s20] =	ssyncset.done $0x0  }
0x8b: {  	[sflag:s20] =	ssyncadd.s32 $0xFFFFF000  }
0x8c: {  	_ =	swait.ge [sflag:s20], $0x1000  }
0x8d: {  	[sflag:s20] =	ssyncset.done $0x0  }
0x8e: {  	[sflag:s20] =	ssyncadd.s32 $0xFFFFF000  }
0x8f: {  	_ =	swait.ge [sflag:s20], $0x1000  }
0x90: {  	[sflag:s20] =	ssyncset.done $0x0  }
0x91: {  	[sflag:s20] =	ssyncadd.s32 $0xFFFFF000  }
0x92: {  	_ =	swait.ge [sflag:s20], $0x1000  }
0x93: {  	[sflag:s20] =	ssyncset.done $0x0  }
0x94: {  	[sflag:s20] =	ssyncadd.s32 $0xFFFFF000  }
0x95: {  	_ =	swait.ge [sflag:s20], $0x1000  }
0x96: {  	[sflag:s20] =	ssyncset.done $0x0  }
0x97: {  	[sflag:s20] =	ssyncadd.s32 $0xFFFFF000  }
0x98: {  	_ =	swait.ge [sflag:s20], $0x1000  }
0x99: {  	[sflag:s20] =	ssyncset.done $0x0  }
0x9a: {  	[sflag:s20] =	ssyncadd.s32 $0xFFFFF000  }
0x9b: {  	_ =	swait.ge [sflag:s20], $0x1000  }
0x9c: {  	[sflag:s20] =	ssyncset.done $0x0  }
0x9d: {  	[sflag:s20] =	ssyncadd.s32 $0xFFFFF000  }
0x9e: {  	_ =	swait.ge [sflag:s20], $0x1000  }
0x9f: {  	[sflag:s20] =	ssyncset.done $0x0  }
0xa0: {  	[sflag:s20] =	ssyncadd.s32 $0xFFFFF000  }
.LBB2_7:
0xa1: {  	s20 =	smul.u32 $0x28000, s19  }
0xa2: {  	s31 =	smul.u32 $0x1400, s19  }
0xa3: {  	s21 =	smul.u32 $0x1400, s17;
	v1 =	vor.u32 s16, v0  }
0xa4: {  	s22 =	sadd.s32 $0x1, s19;
	v2 =	vmulhi.u32 $0x51EB851F, v1;
	s20 =	sshrl.u32 s20, $0x2;
	s19 =	sshrl.u32 s31, $0x2  }
0xa5: {  	s21 =	sshra.s32 s21, $0x2;
	s20 =	sadd.s32 $0x6400, s20;
	s19 =	sadd.s32 $0x1A400, s19  }
0xa6: {  	v3 =	vshrl.u32 v2, $0x4;
	[tilespmem:s20], [sflag:s22] =	stream.indirect.gather [hbm4b:s3+s10], $0x20, s21, s10, $0xb8;
	[tilespmem:$0x1AE00] =	vst v63  }
0xa7: {  	v4 =	vmov s16;
	s20 =	simm.s32 $0x0;
	s21 =	simm.s32 $0x40;
	v3 =	vmul.u32 $0xFFFFFFCE, v3;
	s22 =	sadd.s32 $0x10, s16  }
.LBB2_8:
0xa8: {  	v5 =	vor.u32 s22, v0;
	v4 =	vmulhi.u32 $0x51EB851F, v4;
	s23 =	smov.u32 s21;
	p0 =	sne.s32 s21, $0x13C0  }
.Ltmp7:
0xa9: {  	s21 =	sadd.s32 $0x40, s21;
	v7 =	vadd.s32 v1, v3;
	s24 =	sand.u32 $0x1E00, s20;
	v6 =	vmulhi.u32 $0x51EB851F, v5;
	(pc) =	sbr.rel @p0 .LBB2_8-.Ltmp7, $4  }
0xaa: {  	s25 =	sand.u32 $0x1C0, s20;
	s24 =	sshrl.u32 s24, $0x2;
	v1 =	vmovc v5;
	s20 =	smov.u32 s23;
	v3 =	vshrl.u32 v4, $0x10;
	v4 =	vshll.u32 v7, $0xE;
	v7 =	vshrl.u32 v2, $0x2  }
0xab: {  	s23 =	sadd.s32 s24, s19;
	s24 =	sshrl.u32 s25, $0x2;
	v5 =	vand.u32 $0x3FFC, v7;
	v3 =	vor.u32 v3, v4;
	v2 =	vmov v6  }
0xac: {  	s23 =	sadd.s32 s24, s23;
	v6 =	vshrl.u32 v2, $0x4;
	v5 =	vadd.s32 v5, v3  }
0xad: {  	v4 =	vmov s22;
	s22 =	sadd.s32 $0x10, s22;
	v3 =	vmul.u32 $0xFFFFFFCE, v6;
	[tilespmem:s23+$0x0] =	vst v5  }
.Ltmp8:
0xae: {  	_ = 	snop;
	(pc) =	sbr.rel .LBB2_9-.Ltmp8, $1  }
0xaf: {  	_ =	sdelay $0x3  }
.LBB2_12:
0xb0: {  	_ =	sfence.sel $0x180000  }
0xb1: {  	[bflag:$0x0] =	sbarrier.arrive $0xFFFF  }
0xb2: {  	p0 =	sne.s32 s0, $0x0;
	_ =	strace $0x90000047  }
0xb3: {  	s0 =	sadd.s32 @!p0 $0x100000, s1;
	[bflag:$0x2] =	sbarrier.arrive $0xFFFF  }
0xb4: {  	[sflag:s0] =	ssyncadd.tile.s32 @!p0 $0x1;
	_ =	shalt  }
.Lfunc_end2:
_tile_overlayer_lowered:
.L_overlay_start_2:
0xb5: {  	(tag) =	ssettag $0x2  }
0xb6: {  	s0 =	rddreg [dreg:$0x0];
	s2 =	stileid.u32  }
0xb7: {  	s1 =	rddreg [dreg:$0x1];
	p0 =	sne.s32 s2, $0x0  }
0xb8: {  	s3 =	rddreg [dreg:$0x2];
	[bflag:$0x3] =	sbarrier.arrive $0xFFFF;
	s2 =	simm.s32 @!p0 $0x1C06  }
0xb9: {  	[timem:s3], [sflag:s2] =	dma.local @!p0 [hbm:s0], s1  }
0xba: {  	s0 =	simm.s32 @!p0 $0x6  }
0xbb: {  	_ =	swait.ge @!p0 [sflag:s0], s1  }
0xbc: {  	s1 =	ssub.s32 @!p0 $0x0, s1;
	[sflag:s0] =	ssyncset.done @!p0 $0x0  }
0xbd: {  	[sflag:s0] =	ssyncadd.s32 @!p0 s1  }
0xbe: {  	[bflag:$0x3] =	sbarrier.arrive $0xFFFF  }
0xbf: {  	_ =	shalt  }

</sc_bundles>
